<compile_context>
chip_gen: v7x
topology: tpu7x:2x2x1
jax: 0.10.2.dev20260603
libtpu: 0.0.44.dev20260713+nightly
codegen_flags: <defaults>
</compile_context>

<pallas_src>
import functools

import jax
import jax.numpy as jnp
from jax import lax
from jax.experimental import pallas as pl
from jax.experimental.pallas import tpu as pltpu
from jax.experimental.pallas import tpu_sc as plsc

D = 2048
H = 4096
E = 8
K = 2
N = 2048
ENTROPY_WEIGHT = 0.1
NT = 8
TBLK = N // NT
HC = H // NT
_HIGH = jax.lax.Precision.HIGHEST


def _probsT_body(x8_ref, gw_ref, gb_ref, pT_ref):
    lt = jax.lax.dot_general(
        gw_ref[...], x8_ref[...], (((1,), (1,)), ((), ())),
        preferred_element_type=jnp.float32, precision=_HIGH,
    ) + gb_ref[...]
    m = jnp.max(lt, axis=0, keepdims=True)
    ex = jnp.exp(lt - m)
    p = ex / jnp.sum(ex, axis=0, keepdims=True)
    pT_ref[...] = jnp.concatenate(
        [p, jnp.full((E, 8), -1.0, jnp.float32)], axis=1)


_SC_MESH = plsc.VectorSubcoreMesh(core_axis_name="c", subcore_axis_name="s")


def _sc_lane_gather(v, idx):
    return lax.gather(
        v, idx[:, None],
        lax.GatherDimensionNumbers(
            offset_dims=(), collapsed_slice_dims=(0,), start_index_map=(0,)),
        (1,), mode=lax.GatherScatterMode.PROMISE_IN_BOUNDS)


@functools.partial(
    pl.kernel,
    out_type=[
        jax.ShapeDtypeStruct((8, 16), jnp.float32),
        jax.ShapeDtypeStruct((K, 16), jnp.int32),
    ],
    mesh=_SC_MESH,
    scratch_types=[
        pltpu.VMEM((E, 16), jnp.float32),
        pltpu.VMEM((8, 16), jnp.float32),
        pltpu.VMEM((K, 16), jnp.int32),
    ],
)
def _sc_router(pT_hbm, coef_hbm, esel_hbm, p_v, coef_v, esel_v):
    wid = lax.axis_index("s") * 2 + lax.axis_index("c")

    @pl.when(wid == 0)
    def _():
        pltpu.sync_copy(pT_hbm, p_v)
        lane = lax.iota(jnp.int32, 16)
        valid = lane < 8
        rows = [p_v[e, :] for e in range(E)]
        bv1 = rows[0]
        bi1 = jnp.zeros((16,), jnp.int32)
        for e in range(1, E):
            upd = rows[e] > bv1
            bv1 = jnp.where(upd, rows[e], bv1)
            bi1 = jnp.where(upd, e, bi1)
        bv2 = jnp.full((16,), -2.0, jnp.float32)
        bi2 = jnp.zeros((16,), jnp.int32)
        for e in range(E):
            pe = jnp.where(bi1 == e, -2.0, rows[e])
            upd = pe > bv2
            bv2 = jnp.where(upd, pe, bv2)
            bi2 = jnp.where(upd, e, bi2)
        coef_vecs = []
        for k, (bv, bi) in enumerate(((bv1, bi1), (bv2, bi2))):
            eq = jnp.logical_and(bi == lane, valid)
            coef_vecs.append(jnp.where(eq, bv, 0.0))
            key = jnp.where(eq, lane, 16)
            for shift in (1, 2, 4, 8):
                idx = jnp.bitwise_and(lane + shift, 15)
                key = jnp.minimum(key, _sc_lane_gather(key, idx))
            bi0 = _sc_lane_gather(bi, jnp.zeros((16,), jnp.int32))
            esel_v[k, :] = jnp.where(key < 16, key, bi0)
        for t in range(8):
            tidx = jnp.full((16,), t, jnp.int32)
            g0 = _sc_lane_gather(coef_vecs[0], tidx)
            g1 = _sc_lane_gather(coef_vecs[1], tidx)
            coef_v[t, :] = jnp.where(lane == 0, g0,
                                     jnp.where(lane == 1, g1, 0.0))
        pltpu.sync_copy(coef_v, coef_hbm)
        pltpu.sync_copy(esel_v, esel_hbm)


def _fused_body(esel_ref, x8_ref, coef_ref, w0a_ref, w0b_ref, w1a_ref,
                w1b_ref, b0_ref, b1_ref, xe_ref, gw_ref, gb_ref, out_ref,
                ent_ref, acc_ref):
    t = pl.program_id(0)

    for half, (wa, wb) in enumerate(((w0a_ref, w1a_ref), (w0b_ref, w1b_ref))):
        y0 = jax.lax.dot_general(
            x8_ref[...], wa[0], (((1,), (1,)), ((), ())),
            preferred_element_type=jnp.float32,
        )
        y1 = jax.lax.dot_general(
            x8_ref[...], wb[0], (((1,), (1,)), ((), ())),
            preferred_element_type=jnp.float32,
        )
        bsl = pl.ds(half * (HC // 2), HC // 2)
        y = ((y0 + b0_ref[0, :, bsl]) * coef_ref[:, 0:1]
             + (y1 + b1_ref[0, :, bsl]) * coef_ref[:, 1:2])
        acc_ref[:, pl.ds(t * HC + half * (HC // 2), HC // 2)] = y

    logits = jax.lax.dot_general(
        xe_ref[...], gw_ref[...], (((1,), (1,)), ((), ())),
        preferred_element_type=jnp.float32,
    ) + gb_ref[...]
    m = jnp.max(logits, axis=-1, keepdims=True)
    exl = jnp.exp(logits - m)
    p = exl / jnp.sum(exl, axis=-1, keepdims=True)
    ent = -jnp.sum(p * jnp.log(p + 1e-10))

    @pl.when(t == 0)
    def _():
        ent_ref[0, 0] = ent

    @pl.when(t != 0)
    def _():
        ent_ref[0, 0] += ent

    out_ref[...] = jnp.zeros_like(out_ref)

    @pl.when(t == NT - 1)
    def _():
        out_ref[0:8, :] = acc_ref[...]


def kernel(x, gate_W, gate_b, expert_W, expert_b):
    x_flat = x.reshape(N, D)
    x8 = x_flat[0:8]
    gb = gate_b.reshape(1, E)
    pT = pl.pallas_call(
        _probsT_body,
        in_specs=[
            pl.BlockSpec((8, D), lambda: (0, 0)),
            pl.BlockSpec((E, D), lambda: (0, 0)),
            pl.BlockSpec((E, 1), lambda: (0, 0)),
        ],
        out_specs=pl.BlockSpec((E, 16), lambda: (0, 0)),
        out_shape=jax.ShapeDtypeStruct((E, 16), jnp.float32),
    )(x8, gate_W, gate_b.reshape(E, 1))
    coef, esel = _sc_router(pT)

    out, ent = pl.pallas_call(
        _fused_body,
        grid_spec=pltpu.PrefetchScalarGridSpec(
            num_scalar_prefetch=1,
            grid=(NT,),
            in_specs=[
                pl.BlockSpec((8, D), lambda t, s: (0, 0)),
                pl.BlockSpec((8, 16), lambda t, s: (0, 0)),
                pl.BlockSpec((1, HC // 2, D),
                             lambda t, s: (s[0, 0], 2 * t, 0)),
                pl.BlockSpec((1, HC // 2, D),
                             lambda t, s: (s[0, 0], 2 * t + 1, 0)),
                pl.BlockSpec((1, HC // 2, D),
                             lambda t, s: (s[1, 0], 2 * t, 0)),
                pl.BlockSpec((1, HC // 2, D),
                             lambda t, s: (s[1, 0], 2 * t + 1, 0)),
                pl.BlockSpec((1, 1, HC), lambda t, s: (s[0, 0], 0, t)),
                pl.BlockSpec((1, 1, HC), lambda t, s: (s[1, 0], 0, t)),
                pl.BlockSpec((TBLK, D), lambda t, s: (NT - 1 - t, 0)),
                pl.BlockSpec((E, D), lambda t, s: (0, 0)),
                pl.BlockSpec((1, E), lambda t, s: (0, 0)),
            ],
            out_specs=[
                pl.BlockSpec((TBLK, H), lambda t, s: (NT - 1 - t, 0)),
                pl.BlockSpec(memory_space=pltpu.SMEM),
            ],
            scratch_shapes=[pltpu.VMEM((8, H), jnp.float32)],
        ),
        out_shape=[
            jax.ShapeDtypeStruct((N, H), jnp.float32),
            jax.ShapeDtypeStruct((1, 1), jnp.float32),
        ],
    )(esel, x8, coef, expert_W, expert_W, expert_W, expert_W,
      expert_b.reshape(E, 1, H), expert_b.reshape(E, 1, H), x_flat,
      gate_W, gb)

    loss = ENTROPY_WEIGHT * ent[0, 0] / N
    return out.reshape(1, N, H), loss

# --- scband reference (transcript-rebuilt; emitter-appended) ---
"""Pipeline reference for scband-mo-elayer-8555574854061 (READ-ONLY COPY).

The authoritative reference and input builder live on the scoring server;
editing this copy changes nothing except your own understanding.
"""

import jax, jax.numpy as jnp
import numpy as np

INPUT_DIM = 2048
HIDDEN_DIM = 4096
NUM_EXPERTS = 8
TOP_K = 2
ENTROPY_WEIGHT = 0.1
MAX_USAGE_RATIO = 0.3
BATCH = 1
SEQ = 2048


def setup_inputs(seed: int = 0) -> dict:
    key = jax.random.key(seed)
    ks = jax.random.split(key, 5)
    x = jax.random.normal(ks[0], (BATCH, SEQ, INPUT_DIM), dtype=jnp.float32)
    gate_W = jax.random.normal(ks[1], (NUM_EXPERTS, INPUT_DIM), dtype=jnp.float32) * 0.02
    gate_b = jnp.zeros((NUM_EXPERTS,), dtype=jnp.float32)
    expert_W = jax.random.normal(ks[2], (NUM_EXPERTS, HIDDEN_DIM, INPUT_DIM), dtype=jnp.float32) * 0.02
    expert_b = jnp.zeros((NUM_EXPERTS, HIDDEN_DIM), dtype=jnp.float32)
    return {"x": x, "gate_W": gate_W, "gate_b": gate_b, "expert_W": expert_W, "expert_b": expert_b}


def _moe_forward(x, gate_W, gate_b, expert_W, expert_b):
    B, S, D = x.shape
    x_flat = x.reshape(-1, D)
    N = x_flat.shape[0]
    gate_logits = x_flat @ gate_W.T + gate_b
    gate_probs = jax.nn.softmax(gate_logits, axis=-1)
    entropy = -jnp.sum(gate_probs * jnp.log(gate_probs + 1e-10), axis=-1).mean()
    entropy_loss = ENTROPY_WEIGHT * entropy
    K = TOP_K  # dynamic_k=False
    topk_probs, topk_indices = jax.lax.top_k(gate_probs, K)
    H = expert_W.shape[1]
    expert_outputs = jnp.zeros((N, H), dtype=jnp.float32)
    usage = jnp.zeros((NUM_EXPERTS,), dtype=jnp.float32)
    positions = jnp.arange(N)
    for k in range(K):
        eidx = topk_indices[:, k]
        # Faithful to torch: mask[i] = (arange(N)[i] == expert_idx[i])
        mask = positions == eidx
        idx0 = jnp.argmax(mask)
        esel = eidx[idx0]  # expert_idx[mask][0] in torch; unused contribution if mask all-false
        W = expert_W[esel]
        b = expert_b[esel]
        out_all = x_flat @ W.T + b  # dropout = identity (eval mode)
        contrib = out_all * topk_probs[:, k][:, None]
        expert_outputs = expert_outputs + jnp.where(mask[:, None], contrib, 0.0)
        usage = usage.at[esel].add(mask.sum().astype(jnp.float32))
    usage_ratios = usage / N
    overuse_penalty = jnp.sum(jax.nn.relu(usage_ratios - MAX_USAGE_RATIO))
    output = expert_outputs.reshape(B, S, H)
    return output, entropy_loss + overuse_penalty


def reference(x, gate_W, gate_b, expert_W, expert_b):
    return _moe_forward(x, gate_W, gate_b, expert_W, expert_b)

if __name__ == "__main__":
    import jax
    _d = setup_inputs()
    print(jax.jit(kernel)(*tuple(_d.values())))

</pallas_src>

<mosaic_0001>
#map = affine_map<(d0, d1) -> (0, 0)>
module attributes {stable_mosaic.version = 14 : i64} {
  func.func @_sc_router(%arg0: i32, %arg1: i32, %arg2: memref<8x16xf32, #tpu.memory_space<hbm>>, %arg3: memref<8x16xf32, #tpu.memory_space<hbm>>, %arg4: memref<2x16xi32, #tpu.memory_space<hbm>>, %arg5: memref<8x16xf32, #tpu.memory_space<vmem>>, %arg6: memref<8x16xf32, #tpu.memory_space<vmem>>, %arg7: memref<2x16xi32, #tpu.memory_space<vmem>>) attributes {dimension_semantics = [#tpu.dimension_semantics<core_parallel>, #tpu.dimension_semantics<subcore_parallel>], iteration_bounds = array<i64: 2, 16>, scalar_prefetch = 0 : i64, scratch_operands = 3 : i64, tpu.core_type = #tpu.core_type<sc_vector_subcore>, window_params = [{transform_indices = #map}, {transform_indices = #map}, {transform_indices = #map}]} {
    %mul3A = arith.constant 2 : i32
    %mul3A_0 = arith.muli %arg1, %mul3A : i32
    %add3A = arith.addi %mul3A_0, %arg0 : i32
    %eq3A = arith.constant 0 : i32
    %eq3A_1 = arith.cmpi eq, %add3A, %eq3A : i32
    %convert_element_type3A = arith.extui %eq3A_1 : i1 to i32
    %cond3A = arith.constant 0 : i32
    %cond3A_2 = arith.cmpi ne, %convert_element_type3A, %cond3A : i32
    scf.if %cond3A_2 {
      "tpu.region"() ({
        %run_scoped3A = tpu.sem_alloc : memref<!tpu.dma_semaphore, #tpu.memory_space<semaphore_mem>>
        tpu.enqueue_dma source(%arg2 : memref<8x16xf32, #tpu.memory_space<hbm>>) target(%arg5 : memref<8x16xf32, #tpu.memory_space<vmem>>) target_semaphore(%run_scoped3A : memref<!tpu.dma_semaphore, #tpu.memory_space<semaphore_mem>>)
        tpu.wait_dma2 semaphore(%run_scoped3A : memref<!tpu.dma_semaphore, #tpu.memory_space<semaphore_mem>>) src(%arg2 : memref<8x16xf32, #tpu.memory_space<hbm>>) dst(%arg5 : memref<8x16xf32, #tpu.memory_space<vmem>>)
        tpu.yield
      }) : () -> ()
      %iota3A = tpu.iota {dimensions = array<i32: 0>} : vector<16xi32>
      %lt3A = arith.constant 8 : i32
      %lt3A_3 = vector.broadcast %lt3A : i32 to vector<16xi32>
      %lt3A_4 = arith.cmpi slt, %iota3A, %lt3A_3 : vector<16xi32>
      %get3A = arith.constant 0 : i32
      %get3A_5 = arith.index_cast %get3A : i32 to index
      %get3A_6 = arith.constant 0 : index
      %get3A_7 = tpu.vector_load %arg5[%get3A_5, %get3A_6] {strides = array<i32>} : memref<8x16xf32, #tpu.memory_space<vmem>>, vector<1x16xf32>,
      %get3A_8 = vector.shape_cast %get3A_7 : vector<1x16xf32> to vector<16xf32>
      %get3A_9 = arith.constant 1 : i32
      %get3A_10 = arith.index_cast %get3A_9 : i32 to index
      %get3A_11 = arith.constant 0 : index
      %get3A_12 = tpu.vector_load %arg5[%get3A_10, %get3A_11] {strides = array<i32>} : memref<8x16xf32, #tpu.memory_space<vmem>>, vector<1x16xf32>,
      %get3A_13 = vector.shape_cast %get3A_12 : vector<1x16xf32> to vector<16xf32>
      %get3A_14 = arith.constant 2 : i32
      %get3A_15 = arith.index_cast %get3A_14 : i32 to index
      %get3A_16 = arith.constant 0 : index
      %get3A_17 = tpu.vector_load %arg5[%get3A_15, %get3A_16] {strides = array<i32>} : memref<8x16xf32, #tpu.memory_space<vmem>>, vector<1x16xf32>,
      %get3A_18 = vector.shape_cast %get3A_17 : vector<1x16xf32> to vector<16xf32>
      %get3A_19 = arith.constant 3 : i32
      %get3A_20 = arith.index_cast %get3A_19 : i32 to index
      %get3A_21 = arith.constant 0 : index
      %get3A_22 = tpu.vector_load %arg5[%get3A_20, %get3A_21] {strides = array<i32>} : memref<8x16xf32, #tpu.memory_space<vmem>>, vector<1x16xf32>,
      %get3A_23 = vector.shape_cast %get3A_22 : vector<1x16xf32> to vector<16xf32>
      %get3A_24 = arith.constant 4 : i32
      %get3A_25 = arith.index_cast %get3A_24 : i32 to index
      %get3A_26 = arith.constant 0 : index
      %get3A_27 = tpu.vector_load %arg5[%get3A_25, %get3A_26] {strides = array<i32>} : memref<8x16xf32, #tpu.memory_space<vmem>>, vector<1x16xf32>,
      %get3A_28 = vector.shape_cast %get3A_27 : vector<1x16xf32> to vector<16xf32>
      %get3A_29 = arith.constant 5 : i32
      %get3A_30 = arith.index_cast %get3A_29 : i32 to index
      %get3A_31 = arith.constant 0 : index
      %get3A_32 = tpu.vector_load %arg5[%get3A_30, %get3A_31] {strides = array<i32>} : memref<8x16xf32, #tpu.memory_space<vmem>>, vector<1x16xf32>,
      %get3A_33 = vector.shape_cast %get3A_32 : vector<1x16xf32> to vector<16xf32>
      %get3A_34 = arith.constant 6 : i32
      %get3A_35 = arith.index_cast %get3A_34 : i32 to index
      %get3A_36 = arith.constant 0 : index
      %get3A_37 = tpu.vector_load %arg5[%get3A_35, %get3A_36] {strides = array<i32>} : memref<8x16xf32, #tpu.memory_space<vmem>>, vector<1x16xf32>,
      %get3A_38 = vector.shape_cast %get3A_37 : vector<1x16xf32> to vector<16xf32>
      %get3A_39 = arith.constant 7 : i32
      %get3A_40 = arith.index_cast %get3A_39 : i32 to index
      %get3A_41 = arith.constant 0 : index
      %get3A_42 = tpu.vector_load %arg5[%get3A_40, %get3A_41] {strides = array<i32>} : memref<8x16xf32, #tpu.memory_space<vmem>>, vector<1x16xf32>,
      %get3A_43 = vector.shape_cast %get3A_42 : vector<1x16xf32> to vector<16xf32>
      %broadcast_in_dim3A = arith.constant 0 : i32
      %broadcast_in_dim3A_44 = vector.broadcast %broadcast_in_dim3A : i32 to vector<16xi32>
      %gt3A = arith.cmpf ogt, %get3A_13, %get3A_8 : vector<16xf32>
      %select_n3A = arith.select %gt3A, %get3A_13, %get3A_8 : vector<16xi1>, vector<16xf32>
      %jit3A = arith.constant 1 : i32
      %broadcast_in_dim3A_45 = vector.broadcast %jit3A : i32 to vector<16xi32>
      %select_n3A_46 = arith.select %gt3A, %broadcast_in_dim3A_45, %broadcast_in_dim3A_44 : vector<16xi1>, vector<16xi32>
      %gt3A_47 = arith.cmpf ogt, %get3A_18, %select_n3A : vector<16xf32>
      %select_n3A_48 = arith.select %gt3A_47, %get3A_18, %select_n3A : vector<16xi1>, vector<16xf32>
      %jit3A_49 = arith.constant 2 : i32
      %broadcast_in_dim3A_50 = vector.broadcast %jit3A_49 : i32 to vector<16xi32>
      %select_n3A_51 = arith.select %gt3A_47, %broadcast_in_dim3A_50, %select_n3A_46 : vector<16xi1>, vector<16xi32>
      %gt3A_52 = arith.cmpf ogt, %get3A_23, %select_n3A_48 : vector<16xf32>
      %select_n3A_53 = arith.select %gt3A_52, %get3A_23, %select_n3A_48 : vector<16xi1>, vector<16xf32>
      %jit3A_54 = arith.constant 3 : i32
      %broadcast_in_dim3A_55 = vector.broadcast %jit3A_54 : i32 to vector<16xi32>
      %select_n3A_56 = arith.select %gt3A_52, %broadcast_in_dim3A_55, %select_n3A_51 : vector<16xi1>, vector<16xi32>
      %gt3A_57 = arith.cmpf ogt, %get3A_28, %select_n3A_53 : vector<16xf32>
      %select_n3A_58 = arith.select %gt3A_57, %get3A_28, %select_n3A_53 : vector<16xi1>, vector<16xf32>
      %jit3A_59 = arith.constant 4 : i32
      %broadcast_in_dim3A_60 = vector.broadcast %jit3A_59 : i32 to vector<16xi32>
      %select_n3A_61 = arith.select %gt3A_57, %broadcast_in_dim3A_60, %select_n3A_56 : vector<16xi1>, vector<16xi32>
      %gt3A_62 = arith.cmpf ogt, %get3A_33, %select_n3A_58 : vector<16xf32>
      %select_n3A_63 = arith.select %gt3A_62, %get3A_33, %select_n3A_58 : vector<16xi1>, vector<16xf32>
      %jit3A_64 = arith.constant 5 : i32
      %broadcast_in_dim3A_65 = vector.broadcast %jit3A_64 : i32 to vector<16xi32>
      %select_n3A_66 = arith.select %gt3A_62, %broadcast_in_dim3A_65, %select_n3A_61 : vector<16xi1>, vector<16xi32>
      %gt3A_67 = arith.cmpf ogt, %get3A_38, %select_n3A_63 : vector<16xf32>
      %select_n3A_68 = arith.select %gt3A_67, %get3A_38, %select_n3A_63 : vector<16xi1>, vector<16xf32>
      %jit3A_69 = arith.constant 6 : i32
      %broadcast_in_dim3A_70 = vector.broadcast %jit3A_69 : i32 to vector<16xi32>
      %select_n3A_71 = arith.select %gt3A_67, %broadcast_in_dim3A_70, %select_n3A_66 : vector<16xi1>, vector<16xi32>
      %gt3A_72 = arith.cmpf ogt, %get3A_43, %select_n3A_68 : vector<16xf32>
      %select_n3A_73 = arith.select %gt3A_72, %get3A_43, %select_n3A_68 : vector<16xi1>, vector<16xf32>
      %jit3A_74 = arith.constant 7 : i32
      %broadcast_in_dim3A_75 = vector.broadcast %jit3A_74 : i32 to vector<16xi32>
      %select_n3A_76 = arith.select %gt3A_72, %broadcast_in_dim3A_75, %select_n3A_71 : vector<16xi1>, vector<16xi32>
      %broadcast_in_dim3A_77 = arith.constant -2.000000e+00 : f32
      %broadcast_in_dim3A_78 = vector.broadcast %broadcast_in_dim3A_77 : f32 to vector<16xf32>
      %broadcast_in_dim3A_79 = arith.constant 0 : i32
      %broadcast_in_dim3A_80 = vector.broadcast %broadcast_in_dim3A_79 : i32 to vector<16xi32>
      %eq3A_81 = arith.constant 0 : i32
      %eq3A_82 = vector.broadcast %eq3A_81 : i32 to vector<16xi32>
      %eq3A_83 = arith.cmpi eq, %select_n3A_76, %eq3A_82 : vector<16xi32>
      %jit3A_84 = arith.constant -2.000000e+00 : f32
      %broadcast_in_dim3A_85 = vector.broadcast %jit3A_84 : f32 to vector<16xf32>
      %select_n3A_86 = arith.select %eq3A_83, %broadcast_in_dim3A_85, %get3A_8 : vector<16xi1>, vector<16xf32>
      %gt3A_87 = arith.cmpf ogt, %select_n3A_86, %broadcast_in_dim3A_78 : vector<16xf32>
      %select_n3A_88 = arith.select %gt3A_87, %select_n3A_86, %broadcast_in_dim3A_78 : vector<16xi1>, vector<16xf32>
      %jit3A_89 = arith.constant 0 : i32
      %broadcast_in_dim3A_90 = vector.broadcast %jit3A_89 : i32 to vector<16xi32>
      %select_n3A_91 = arith.select %gt3A_87, %broadcast_in_dim3A_90, %broadcast_in_dim3A_80 : vector<16xi1>, vector<16xi32>
      %eq3A_92 = arith.constant 1 : i32
      %eq3A_93 = vector.broadcast %eq3A_92 : i32 to vector<16xi32>
      %eq3A_94 = arith.cmpi eq, %select_n3A_76, %eq3A_93 : vector<16xi32>
      %jit3A_95 = arith.constant -2.000000e+00 : f32
      %broadcast_in_dim3A_96 = vector.broadcast %jit3A_95 : f32 to vector<16xf32>
      %select_n3A_97 = arith.select %eq3A_94, %broadcast_in_dim3A_96, %get3A_13 : vector<16xi1>, vector<16xf32>
      %gt3A_98 = arith.cmpf ogt, %select_n3A_97, %select_n3A_88 : vector<16xf32>
      %select_n3A_99 = arith.select %gt3A_98, %select_n3A_97, %select_n3A_88 : vector<16xi1>, vector<16xf32>
      %jit3A_100 = arith.constant 1 : i32
      %broadcast_in_dim3A_101 = vector.broadcast %jit3A_100 : i32 to vector<16xi32>
      %select_n3A_102 = arith.select %gt3A_98, %broadcast_in_dim3A_101, %select_n3A_91 : vector<16xi1>, vector<16xi32>
      %eq3A_103 = arith.constant 2 : i32
      %eq3A_104 = vector.broadcast %eq3A_103 : i32 to vector<16xi32>
      %eq3A_105 = arith.cmpi eq, %select_n3A_76, %eq3A_104 : vector<16xi32>
      %jit3A_106 = arith.constant -2.000000e+00 : f32
      %broadcast_in_dim3A_107 = vector.broadcast %jit3A_106 : f32 to vector<16xf32>
      %select_n3A_108 = arith.select %eq3A_105, %broadcast_in_dim3A_107, %get3A_18 : vector<16xi1>, vector<16xf32>
      %gt3A_109 = arith.cmpf ogt, %select_n3A_108, %select_n3A_99 : vector<16xf32>
      %select_n3A_110 = arith.select %gt3A_109, %select_n3A_108, %select_n3A_99 : vector<16xi1>, vector<16xf32>
      %jit3A_111 = arith.constant 2 : i32
      %broadcast_in_dim3A_112 = vector.broadcast %jit3A_111 : i32 to vector<16xi32>
      %select_n3A_113 = arith.select %gt3A_109, %broadcast_in_dim3A_112, %select_n3A_102 : vector<16xi1>, vector<16xi32>
      %eq3A_114 = arith.constant 3 : i32
      %eq3A_115 = vector.broadcast %eq3A_114 : i32 to vector<16xi32>
      %eq3A_116 = arith.cmpi eq, %select_n3A_76, %eq3A_115 : vector<16xi32>
      %jit3A_117 = arith.constant -2.000000e+00 : f32
      %broadcast_in_dim3A_118 = vector.broadcast %jit3A_117 : f32 to vector<16xf32>
      %select_n3A_119 = arith.select %eq3A_116, %broadcast_in_dim3A_118, %get3A_23 : vector<16xi1>, vector<16xf32>
      %gt3A_120 = arith.cmpf ogt, %select_n3A_119, %select_n3A_110 : vector<16xf32>
      %select_n3A_121 = arith.select %gt3A_120, %select_n3A_119, %select_n3A_110 : vector<16xi1>, vector<16xf32>
      %jit3A_122 = arith.constant 3 : i32
      %broadcast_in_dim3A_123 = vector.broadcast %jit3A_122 : i32 to vector<16xi32>
      %select_n3A_124 = arith.select %gt3A_120, %broadcast_in_dim3A_123, %select_n3A_113 : vector<16xi1>, vector<16xi32>
      %eq3A_125 = arith.constant 4 : i32
      %eq3A_126 = vector.broadcast %eq3A_125 : i32 to vector<16xi32>
      %eq3A_127 = arith.cmpi eq, %select_n3A_76, %eq3A_126 : vector<16xi32>
      %jit3A_128 = arith.constant -2.000000e+00 : f32
      %broadcast_in_dim3A_129 = vector.broadcast %jit3A_128 : f32 to vector<16xf32>
      %select_n3A_130 = arith.select %eq3A_127, %broadcast_in_dim3A_129, %get3A_28 : vector<16xi1>, vector<16xf32>
      %gt3A_131 = arith.cmpf ogt, %select_n3A_130, %select_n3A_121 : vector<16xf32>
      %select_n3A_132 = arith.select %gt3A_131, %select_n3A_130, %select_n3A_121 : vector<16xi1>, vector<16xf32>
      %jit3A_133 = arith.constant 4 : i32
      %broadcast_in_dim3A_134 = vector.broadcast %jit3A_133 : i32 to vector<16xi32>
      %select_n3A_135 = arith.select %gt3A_131, %broadcast_in_dim3A_134, %select_n3A_124 : vector<16xi1>, vector<16xi32>
      %eq3A_136 = arith.constant 5 : i32
      %eq3A_137 = vector.broadcast %eq3A_136 : i32 to vector<16xi32>
      %eq3A_138 = arith.cmpi eq, %select_n3A_76, %eq3A_137 : vector<16xi32>
      %jit3A_139 = arith.constant -2.000000e+00 : f32
      %broadcast_in_dim3A_140 = vector.broadcast %jit3A_139 : f32 to vector<16xf32>
      %select_n3A_141 = arith.select %eq3A_138, %broadcast_in_dim3A_140, %get3A_33 : vector<16xi1>, vector<16xf32>
      %gt3A_142 = arith.cmpf ogt, %select_n3A_141, %select_n3A_132 : vector<16xf32>
      %select_n3A_143 = arith.select %gt3A_142, %select_n3A_141, %select_n3A_132 : vector<16xi1>, vector<16xf32>
      %jit3A_144 = arith.constant 5 : i32
      %broadcast_in_dim3A_145 = vector.broadcast %jit3A_144 : i32 to vector<16xi32>
      %select_n3A_146 = arith.select %gt3A_142, %broadcast_in_dim3A_145, %select_n3A_135 : vector<16xi1>, vector<16xi32>
      %eq3A_147 = arith.constant 6 : i32
      %eq3A_148 = vector.broadcast %eq3A_147 : i32 to vector<16xi32>
      %eq3A_149 = arith.cmpi eq, %select_n3A_76, %eq3A_148 : vector<16xi32>
      %jit3A_150 = arith.constant -2.000000e+00 : f32
      %broadcast_in_dim3A_151 = vector.broadcast %jit3A_150 : f32 to vector<16xf32>
      %select_n3A_152 = arith.select %eq3A_149, %broadcast_in_dim3A_151, %get3A_38 : vector<16xi1>, vector<16xf32>
      %gt3A_153 = arith.cmpf ogt, %select_n3A_152, %select_n3A_143 : vector<16xf32>
      %select_n3A_154 = arith.select %gt3A_153, %select_n3A_152, %select_n3A_143 : vector<16xi1>, vector<16xf32>
      %jit3A_155 = arith.constant 6 : i32
      %broadcast_in_dim3A_156 = vector.broadcast %jit3A_155 : i32 to vector<16xi32>
      %select_n3A_157 = arith.select %gt3A_153, %broadcast_in_dim3A_156, %select_n3A_146 : vector<16xi1>, vector<16xi32>
      %eq3A_158 = arith.constant 7 : i32
      %eq3A_159 = vector.broadcast %eq3A_158 : i32 to vector<16xi32>
      %eq3A_160 = arith.cmpi eq, %select_n3A_76, %eq3A_159 : vector<16xi32>
      %jit3A_161 = arith.constant -2.000000e+00 : f32
      %broadcast_in_dim3A_162 = vector.broadcast %jit3A_161 : f32 to vector<16xf32>
      %select_n3A_163 = arith.select %eq3A_160, %broadcast_in_dim3A_162, %get3A_43 : vector<16xi1>, vector<16xf32>
      %gt3A_164 = arith.cmpf ogt, %select_n3A_163, %select_n3A_154 : vector<16xf32>
      %select_n3A_165 = arith.select %gt3A_164, %select_n3A_163, %select_n3A_154 : vector<16xi1>, vector<16xf32>
      %jit3A_166 = arith.constant 7 : i32
      %broadcast_in_dim3A_167 = vector.broadcast %jit3A_166 : i32 to vector<16xi32>
      %select_n3A_168 = arith.select %gt3A_164, %broadcast_in_dim3A_167, %select_n3A_157 : vector<16xi1>, vector<16xi32>
      %eq3A_169 = arith.cmpi eq, %select_n3A_76, %iota3A : vector<16xi32>
      %and3A = arith.andi %eq3A_169, %lt3A_4 : vector<16xi1>
      %jit3A_170 = arith.constant 0.000000e+00 : f32
      %broadcast_in_dim3A_171 = vector.broadcast %jit3A_170 : f32 to vector<16xf32>
      %select_n3A_172 = arith.select %and3A, %select_n3A_73, %broadcast_in_dim3A_171 : vector<16xi1>, vector<16xf32>
      %jit3A_173 = arith.constant 16 : i32
      %broadcast_in_dim3A_174 = vector.broadcast %jit3A_173 : i32 to vector<16xi32>
      %select_n3A_175 = arith.select %and3A, %iota3A, %broadcast_in_dim3A_174 : vector<16xi1>, vector<16xi32>
      %add3A_176 = arith.constant 1 : i32
      %add3A_177 = vector.broadcast %add3A_176 : i32 to vector<16xi32>
      %add3A_178 = arith.addi %iota3A, %add3A_177 : vector<16xi32>
      %and3A_179 = arith.constant 15 : i32
      %and3A_180 = vector.broadcast %and3A_179 : i32 to vector<16xi32>
      %and3A_181 = arith.andi %add3A_178, %and3A_180 : vector<16xi32>
      %broadcast_in_dim3A_182 = vector.shape_cast %and3A_181 : vector<16xi32> to vector<16x1xi32>
      %gather3A = vector.shape_cast %broadcast_in_dim3A_182 : vector<16x1xi32> to vector<16xi32>
      %gather3A_183 = tpu.dynamic_gather %select_n3A_175[%gather3A] in [0] : vector<16xi32>, vector<16xi32> -> vector<16xi32>
      %min3A = arith.minsi %select_n3A_175, %gather3A_183 : vector<16xi32>
      %add3A_184 = arith.constant 2 : i32
      %add3A_185 = vector.broadcast %add3A_184 : i32 to vector<16xi32>
      %add3A_186 = arith.addi %iota3A, %add3A_185 : vector<16xi32>
      %and3A_187 = arith.constant 15 : i32
      %and3A_188 = vector.broadcast %and3A_187 : i32 to vector<16xi32>
      %and3A_189 = arith.andi %add3A_186, %and3A_188 : vector<16xi32>
      %broadcast_in_dim3A_190 = vector.shape_cast %and3A_189 : vector<16xi32> to vector<16x1xi32>
      %gather3A_191 = vector.shape_cast %broadcast_in_dim3A_190 : vector<16x1xi32> to vector<16xi32>
      %gather3A_192 = tpu.dynamic_gather %min3A[%gather3A_191] in [0] : vector<16xi32>, vector<16xi32> -> vector<16xi32>
      %min3A_193 = arith.minsi %min3A, %gather3A_192 : vector<16xi32>
      %add3A_194 = arith.constant 4 : i32
      %add3A_195 = vector.broadcast %add3A_194 : i32 to vector<16xi32>
      %add3A_196 = arith.addi %iota3A, %add3A_195 : vector<16xi32>
      %and3A_197 = arith.constant 15 : i32
      %and3A_198 = vector.broadcast %and3A_197 : i32 to vector<16xi32>
      %and3A_199 = arith.andi %add3A_196, %and3A_198 : vector<16xi32>
      %broadcast_in_dim3A_200 = vector.shape_cast %and3A_199 : vector<16xi32> to vector<16x1xi32>
      %gather3A_201 = vector.shape_cast %broadcast_in_dim3A_200 : vector<16x1xi32> to vector<16xi32>
      %gather3A_202 = tpu.dynamic_gather %min3A_193[%gather3A_201] in [0] : vector<16xi32>, vector<16xi32> -> vector<16xi32>
      %min3A_203 = arith.minsi %min3A_193, %gather3A_202 : vector<16xi32>
      %add3A_204 = arith.constant 8 : i32
      %add3A_205 = vector.broadcast %add3A_204 : i32 to vector<16xi32>
      %add3A_206 = arith.addi %iota3A, %add3A_205 : vector<16xi32>
      %and3A_207 = arith.constant 15 : i32
      %and3A_208 = vector.broadcast %and3A_207 : i32 to vector<16xi32>
      %and3A_209 = arith.andi %add3A_206, %and3A_208 : vector<16xi32>
      %broadcast_in_dim3A_210 = vector.shape_cast %and3A_209 : vector<16xi32> to vector<16x1xi32>
      %gather3A_211 = vector.shape_cast %broadcast_in_dim3A_210 : vector<16x1xi32> to vector<16xi32>
      %gather3A_212 = tpu.dynamic_gather %min3A_203[%gather3A_211] in [0] : vector<16xi32>, vector<16xi32> -> vector<16xi32>
      %min3A_213 = arith.minsi %min3A_203, %gather3A_212 : vector<16xi32>
      %broadcast_in_dim3A_214 = arith.constant 0 : i32
      %broadcast_in_dim3A_215 = vector.broadcast %broadcast_in_dim3A_214 : i32 to vector<16xi32>
      %broadcast_in_dim3A_216 = vector.shape_cast %broadcast_in_dim3A_215 : vector<16xi32> to vector<16x1xi32>
      %gather3A_217 = vector.shape_cast %broadcast_in_dim3A_216 : vector<16x1xi32> to vector<16xi32>
      %gather3A_218 = tpu.dynamic_gather %select_n3A_76[%gather3A_217] in [0] : vector<16xi32>, vector<16xi32> -> vector<16xi32>
      %lt3A_219 = arith.constant 16 : i32
      %lt3A_220 = vector.broadcast %lt3A_219 : i32 to vector<16xi32>
      %lt3A_221 = arith.cmpi slt, %min3A_213, %lt3A_220 : vector<16xi32>
      %select_n3A_222 = arith.select %lt3A_221, %min3A_213, %gather3A_218 : vector<16xi1>, vector<16xi32>
      %swap3A = arith.constant 0 : i32
      %swap3A_223 = arith.index_cast %swap3A : i32 to index
      %swap3A_224 = arith.constant 0 : index
      %swap3A_225 = tpu.vector_load %arg7[%swap3A_223, %swap3A_224] {strides = array<i32>} : memref<2x16xi32, #tpu.memory_space<vmem>>, vector<1x16xi32>,
      %swap3A_226 = vector.shape_cast %swap3A_225 : vector<1x16xi32> to vector<16xi32>
      %swap3A_227 = vector.shape_cast %select_n3A_222 : vector<16xi32> to vector<1x16xi32>
      tpu.vector_store %arg7[%swap3A_223, %swap3A_224], %swap3A_227 {strides = array<i32>} : memref<2x16xi32, #tpu.memory_space<vmem>>, vector<1x16xi32>,
      %eq3A_228 = arith.cmpi eq, %select_n3A_168, %iota3A : vector<16xi32>
      %and3A_229 = arith.andi %eq3A_228, %lt3A_4 : vector<16xi1>
      %jit3A_230 = arith.constant 0.000000e+00 : f32
      %broadcast_in_dim3A_231 = vector.broadcast %jit3A_230 : f32 to vector<16xf32>
      %select_n3A_232 = arith.select %and3A_229, %select_n3A_165, %broadcast_in_dim3A_231 : vector<16xi1>, vector<16xf32>
      %jit3A_233 = arith.constant 16 : i32
      %broadcast_in_dim3A_234 = vector.broadcast %jit3A_233 : i32 to vector<16xi32>
      %select_n3A_235 = arith.select %and3A_229, %iota3A, %broadcast_in_dim3A_234 : vector<16xi1>, vector<16xi32>
      %add3A_236 = arith.constant 1 : i32
      %add3A_237 = vector.broadcast %add3A_236 : i32 to vector<16xi32>
      %add3A_238 = arith.addi %iota3A, %add3A_237 : vector<16xi32>
      %and3A_239 = arith.constant 15 : i32
      %and3A_240 = vector.broadcast %and3A_239 : i32 to vector<16xi32>
      %and3A_241 = arith.andi %add3A_238, %and3A_240 : vector<16xi32>
      %broadcast_in_dim3A_242 = vector.shape_cast %and3A_241 : vector<16xi32> to vector<16x1xi32>
      %gather3A_243 = vector.shape_cast %broadcast_in_dim3A_242 : vector<16x1xi32> to vector<16xi32>
      %gather3A_244 = tpu.dynamic_gather %select_n3A_235[%gather3A_243] in [0] : vector<16xi32>, vector<16xi32> -> vector<16xi32>
      %min3A_245 = arith.minsi %select_n3A_235, %gather3A_244 : vector<16xi32>
      %add3A_246 = arith.constant 2 : i32
      %add3A_247 = vector.broadcast %add3A_246 : i32 to vector<16xi32>
      %add3A_248 = arith.addi %iota3A, %add3A_247 : vector<16xi32>
      %and3A_249 = arith.constant 15 : i32
      %and3A_250 = vector.broadcast %and3A_249 : i32 to vector<16xi32>
      %and3A_251 = arith.andi %add3A_248, %and3A_250 : vector<16xi32>
      %broadcast_in_dim3A_252 = vector.shape_cast %and3A_251 : vector<16xi32> to vector<16x1xi32>
      %gather3A_253 = vector.shape_cast %broadcast_in_dim3A_252 : vector<16x1xi32> to vector<16xi32>
      %gather3A_254 = tpu.dynamic_gather %min3A_245[%gather3A_253] in [0] : vector<16xi32>, vector<16xi32> -> vector<16xi32>
      %min3A_255 = arith.minsi %min3A_245, %gather3A_254 : vector<16xi32>
      %add3A_256 = arith.constant 4 : i32
      %add3A_257 = vector.broadcast %add3A_256 : i32 to vector<16xi32>
      %add3A_258 = arith.addi %iota3A, %add3A_257 : vector<16xi32>
      %and3A_259 = arith.constant 15 : i32
      %and3A_260 = vector.broadcast %and3A_259 : i32 to vector<16xi32>
      %and3A_261 = arith.andi %add3A_258, %and3A_260 : vector<16xi32>
      %broadcast_in_dim3A_262 = vector.shape_cast %and3A_261 : vector<16xi32> to vector<16x1xi32>
      %gather3A_263 = vector.shape_cast %broadcast_in_dim3A_262 : vector<16x1xi32> to vector<16xi32>
      %gather3A_264 = tpu.dynamic_gather %min3A_255[%gather3A_263] in [0] : vector<16xi32>, vector<16xi32> -> vector<16xi32>
      %min3A_265 = arith.minsi %min3A_255, %gather3A_264 : vector<16xi32>
      %add3A_266 = arith.constant 8 : i32
      %add3A_267 = vector.broadcast %add3A_266 : i32 to vector<16xi32>
      %add3A_268 = arith.addi %iota3A, %add3A_267 : vector<16xi32>
      %and3A_269 = arith.constant 15 : i32
      %and3A_270 = vector.broadcast %and3A_269 : i32 to vector<16xi32>
      %and3A_271 = arith.andi %add3A_268, %and3A_270 : vector<16xi32>
      %broadcast_in_dim3A_272 = vector.shape_cast %and3A_271 : vector<16xi32> to vector<16x1xi32>
      %gather3A_273 = vector.shape_cast %broadcast_in_dim3A_272 : vector<16x1xi32> to vector<16xi32>
      %gather3A_274 = tpu.dynamic_gather %min3A_265[%gather3A_273] in [0] : vector<16xi32>, vector<16xi32> -> vector<16xi32>
      %min3A_275 = arith.minsi %min3A_265, %gather3A_274 : vector<16xi32>
      %broadcast_in_dim3A_276 = arith.constant 0 : i32
      %broadcast_in_dim3A_277 = vector.broadcast %broadcast_in_dim3A_276 : i32 to vector<16xi32>
      %broadcast_in_dim3A_278 = vector.shape_cast %broadcast_in_dim3A_277 : vector<16xi32> to vector<16x1xi32>
      %gather3A_279 = vector.shape_cast %broadcast_in_dim3A_278 : vector<16x1xi32> to vector<16xi32>
      %gather3A_280 = tpu.dynamic_gather %select_n3A_168[%gather3A_279] in [0] : vector<16xi32>, vector<16xi32> -> vector<16xi32>
      %lt3A_281 = arith.constant 16 : i32
      %lt3A_282 = vector.broadcast %lt3A_281 : i32 to vector<16xi32>
      %lt3A_283 = arith.cmpi slt, %min3A_275, %lt3A_282 : vector<16xi32>
      %select_n3A_284 = arith.select %lt3A_283, %min3A_275, %gather3A_280 : vector<16xi1>, vector<16xi32>
      %swap3A_285 = arith.constant 1 : i32
      %swap3A_286 = arith.index_cast %swap3A_285 : i32 to index
      %swap3A_287 = arith.constant 0 : index
      %swap3A_288 = tpu.vector_load %arg7[%swap3A_286, %swap3A_287] {strides = array<i32>} : memref<2x16xi32, #tpu.memory_space<vmem>>, vector<1x16xi32>,
      %swap3A_289 = vector.shape_cast %swap3A_288 : vector<1x16xi32> to vector<16xi32>
      %swap3A_290 = vector.shape_cast %select_n3A_284 : vector<16xi32> to vector<1x16xi32>
      tpu.vector_store %arg7[%swap3A_286, %swap3A_287], %swap3A_290 {strides = array<i32>} : memref<2x16xi32, #tpu.memory_space<vmem>>, vector<1x16xi32>,
      %broadcast_in_dim3A_291 = arith.constant 0 : i32
      %broadcast_in_dim3A_292 = vector.broadcast %broadcast_in_dim3A_291 : i32 to vector<16xi32>
      %broadcast_in_dim3A_293 = vector.shape_cast %broadcast_in_dim3A_292 : vector<16xi32> to vector<16x1xi32>
      %gather3A_294 = vector.shape_cast %broadcast_in_dim3A_293 : vector<16x1xi32> to vector<16xi32>
      %gather3A_295 = tpu.dynamic_gather %select_n3A_172[%gather3A_294] in [0] : vector<16xf32>, vector<16xi32> -> vector<16xf32>
      %broadcast_in_dim3A_296 = vector.shape_cast %broadcast_in_dim3A_292 : vector<16xi32> to vector<16x1xi32>
      %gather3A_297 = vector.shape_cast %broadcast_in_dim3A_296 : vector<16x1xi32> to vector<16xi32>
      %gather3A_298 = tpu.dynamic_gather %select_n3A_232[%gather3A_297] in [0] : vector<16xf32>, vector<16xi32> -> vector<16xf32>
      %eq3A_299 = arith.constant 0 : i32
      %eq3A_300 = vector.broadcast %eq3A_299 : i32 to vector<16xi32>
      %eq3A_301 = arith.cmpi eq, %iota3A, %eq3A_300 : vector<16xi32>
      %eq3A_302 = arith.constant 1 : i32
      %eq3A_303 = vector.broadcast %eq3A_302 : i32 to vector<16xi32>
      %eq3A_304 = arith.cmpi eq, %iota3A, %eq3A_303 : vector<16xi32>
      %jit3A_305 = arith.constant 0.000000e+00 : f32
      %broadcast_in_dim3A_306 = vector.broadcast %jit3A_305 : f32 to vector<16xf32>
      %select_n3A_307 = arith.select %eq3A_304, %gather3A_298, %broadcast_in_dim3A_306 : vector<16xi1>, vector<16xf32>
      %select_n3A_308 = arith.select %eq3A_301, %gather3A_295, %select_n3A_307 : vector<16xi1>, vector<16xf32>
      %swap3A_309 = arith.constant 0 : i32
      %swap3A_310 = arith.index_cast %swap3A_309 : i32 to index
      %swap3A_311 = arith.constant 0 : index
      %swap3A_312 = tpu.vector_load %arg6[%swap3A_310, %swap3A_311] {strides = array<i32>} : memref<8x16xf32, #tpu.memory_space<vmem>>, vector<1x16xf32>,
      %swap3A_313 = vector.shape_cast %swap3A_312 : vector<1x16xf32> to vector<16xf32>
      %swap3A_314 = vector.shape_cast %select_n3A_308 : vector<16xf32> to vector<1x16xf32>
      tpu.vector_store %arg6[%swap3A_310, %swap3A_311], %swap3A_314 {strides = array<i32>} : memref<8x16xf32, #tpu.memory_space<vmem>>, vector<1x16xf32>,
      %broadcast_in_dim3A_315 = arith.constant 1 : i32
      %broadcast_in_dim3A_316 = vector.broadcast %broadcast_in_dim3A_315 : i32 to vector<16xi32>
      %broadcast_in_dim3A_317 = vector.shape_cast %broadcast_in_dim3A_316 : vector<16xi32> to vector<16x1xi32>
      %gather3A_318 = vector.shape_cast %broadcast_in_dim3A_317 : vector<16x1xi32> to vector<16xi32>
      %gather3A_319 = tpu.dynamic_gather %select_n3A_172[%gather3A_318] in [0] : vector<16xf32>, vector<16xi32> -> vector<16xf32>
      %broadcast_in_dim3A_320 = vector.shape_cast %broadcast_in_dim3A_316 : vector<16xi32> to vector<16x1xi32>
      %gather3A_321 = vector.shape_cast %broadcast_in_dim3A_320 : vector<16x1xi32> to vector<16xi32>
      %gather3A_322 = tpu.dynamic_gather %select_n3A_232[%gather3A_321] in [0] : vector<16xf32>, vector<16xi32> -> vector<16xf32>
      %eq3A_323 = arith.constant 0 : i32
      %eq3A_324 = vector.broadcast %eq3A_323 : i32 to vector<16xi32>
      %eq3A_325 = arith.cmpi eq, %iota3A, %eq3A_324 : vector<16xi32>
      %eq3A_326 = arith.constant 1 : i32
      %eq3A_327 = vector.broadcast %eq3A_326 : i32 to vector<16xi32>
      %eq3A_328 = arith.cmpi eq, %iota3A, %eq3A_327 : vector<16xi32>
      %jit3A_329 = arith.constant 0.000000e+00 : f32
      %broadcast_in_dim3A_330 = vector.broadcast %jit3A_329 : f32 to vector<16xf32>
      %select_n3A_331 = arith.select %eq3A_328, %gather3A_322, %broadcast_in_dim3A_330 : vector<16xi1>, vector<16xf32>
      %select_n3A_332 = arith.select %eq3A_325, %gather3A_319, %select_n3A_331 : vector<16xi1>, vector<16xf32>
      %swap3A_333 = arith.constant 1 : i32
      %swap3A_334 = arith.index_cast %swap3A_333 : i32 to index
      %swap3A_335 = arith.constant 0 : index
      %swap3A_336 = tpu.vector_load %arg6[%swap3A_334, %swap3A_335] {strides = array<i32>} : memref<8x16xf32, #tpu.memory_space<vmem>>, vector<1x16xf32>,
      %swap3A_337 = vector.shape_cast %swap3A_336 : vector<1x16xf32> to vector<16xf32>
      %swap3A_338 = vector.shape_cast %select_n3A_332 : vector<16xf32> to vector<1x16xf32>
      tpu.vector_store %arg6[%swap3A_334, %swap3A_335], %swap3A_338 {strides = array<i32>} : memref<8x16xf32, #tpu.memory_space<vmem>>, vector<1x16xf32>,
      %broadcast_in_dim3A_339 = arith.constant 2 : i32
      %broadcast_in_dim3A_340 = vector.broadcast %broadcast_in_dim3A_339 : i32 to vector<16xi32>
      %broadcast_in_dim3A_341 = vector.shape_cast %broadcast_in_dim3A_340 : vector<16xi32> to vector<16x1xi32>
      %gather3A_342 = vector.shape_cast %broadcast_in_dim3A_341 : vector<16x1xi32> to vector<16xi32>
      %gather3A_343 = tpu.dynamic_gather %select_n3A_172[%gather3A_342] in [0] : vector<16xf32>, vector<16xi32> -> vector<16xf32>
      %broadcast_in_dim3A_344 = vector.shape_cast %broadcast_in_dim3A_340 : vector<16xi32> to vector<16x1xi32>
      %gather3A_345 = vector.shape_cast %broadcast_in_dim3A_344 : vector<16x1xi32> to vector<16xi32>
      %gather3A_346 = tpu.dynamic_gather %select_n3A_232[%gather3A_345] in [0] : vector<16xf32>, vector<16xi32> -> vector<16xf32>
      %eq3A_347 = arith.constant 0 : i32
      %eq3A_348 = vector.broadcast %eq3A_347 : i32 to vector<16xi32>
      %eq3A_349 = arith.cmpi eq, %iota3A, %eq3A_348 : vector<16xi32>
      %eq3A_350 = arith.constant 1 : i32
      %eq3A_351 = vector.broadcast %eq3A_350 : i32 to vector<16xi32>
      %eq3A_352 = arith.cmpi eq, %iota3A, %eq3A_351 : vector<16xi32>
      %jit3A_353 = arith.constant 0.000000e+00 : f32
      %broadcast_in_dim3A_354 = vector.broadcast %jit3A_353 : f32 to vector<16xf32>
      %select_n3A_355 = arith.select %eq3A_352, %gather3A_346, %broadcast_in_dim3A_354 : vector<16xi1>, vector<16xf32>
      %select_n3A_356 = arith.select %eq3A_349, %gather3A_343, %select_n3A_355 : vector<16xi1>, vector<16xf32>
      %swap3A_357 = arith.constant 2 : i32
      %swap3A_358 = arith.index_cast %swap3A_357 : i32 to index
      %swap3A_359 = arith.constant 0 : index
      %swap3A_360 = tpu.vector_load %arg6[%swap3A_358, %swap3A_359] {strides = array<i32>} : memref<8x16xf32, #tpu.memory_space<vmem>>, vector<1x16xf32>,
      %swap3A_361 = vector.shape_cast %swap3A_360 : vector<1x16xf32> to vector<16xf32>
      %swap3A_362 = vector.shape_cast %select_n3A_356 : vector<16xf32> to vector<1x16xf32>
      tpu.vector_store %arg6[%swap3A_358, %swap3A_359], %swap3A_362 {strides = array<i32>} : memref<8x16xf32, #tpu.memory_space<vmem>>, vector<1x16xf32>,
      %broadcast_in_dim3A_363 = arith.constant 3 : i32
      %broadcast_in_dim3A_364 = vector.broadcast %broadcast_in_dim3A_363 : i32 to vector<16xi32>
      %broadcast_in_dim3A_365 = vector.shape_cast %broadcast_in_dim3A_364 : vector<16xi32> to vector<16x1xi32>
      %gather3A_366 = vector.shape_cast %broadcast_in_dim3A_365 : vector<16x1xi32> to vector<16xi32>
      %gather3A_367 = tpu.dynamic_gather %select_n3A_172[%gather3A_366] in [0] : vector<16xf32>, vector<16xi32> -> vector<16xf32>
      %broadcast_in_dim3A_368 = vector.shape_cast %broadcast_in_dim3A_364 : vector<16xi32> to vector<16x1xi32>
      %gather3A_369 = vector.shape_cast %broadcast_in_dim3A_368 : vector<16x1xi32> to vector<16xi32>
      %gather3A_370 = tpu.dynamic_gather %select_n3A_232[%gather3A_369] in [0] : vector<16xf32>, vector<16xi32> -> vector<16xf32>
      %eq3A_371 = arith.constant 0 : i32
      %eq3A_372 = vector.broadcast %eq3A_371 : i32 to vector<16xi32>
      %eq3A_373 = arith.cmpi eq, %iota3A, %eq3A_372 : vector<16xi32>
      %eq3A_374 = arith.constant 1 : i32
      %eq3A_375 = vector.broadcast %eq3A_374 : i32 to vector<16xi32>
      %eq3A_376 = arith.cmpi eq, %iota3A, %eq3A_375 : vector<16xi32>
      %jit3A_377 = arith.constant 0.000000e+00 : f32
      %broadcast_in_dim3A_378 = vector.broadcast %jit3A_377 : f32 to vector<16xf32>
      %select_n3A_379 = arith.select %eq3A_376, %gather3A_370, %broadcast_in_dim3A_378 : vector<16xi1>, vector<16xf32>
      %select_n3A_380 = arith.select %eq3A_373, %gather3A_367, %select_n3A_379 : vector<16xi1>, vector<16xf32>
      %swap3A_381 = arith.constant 3 : i32
      %swap3A_382 = arith.index_cast %swap3A_381 : i32 to index
      %swap3A_383 = arith.constant 0 : index
      %swap3A_384 = tpu.vector_load %arg6[%swap3A_382, %swap3A_383] {strides = array<i32>} : memref<8x16xf32, #tpu.memory_space<vmem>>, vector<1x16xf32>,
      %swap3A_385 = vector.shape_cast %swap3A_384 : vector<1x16xf32> to vector<16xf32>
      %swap3A_386 = vector.shape_cast %select_n3A_380 : vector<16xf32> to vector<1x16xf32>
      tpu.vector_store %arg6[%swap3A_382, %swap3A_383], %swap3A_386 {strides = array<i32>} : memref<8x16xf32, #tpu.memory_space<vmem>>, vector<1x16xf32>,
      %broadcast_in_dim3A_387 = arith.constant 4 : i32
      %broadcast_in_dim3A_388 = vector.broadcast %broadcast_in_dim3A_387 : i32 to vector<16xi32>
      %broadcast_in_dim3A_389 = vector.shape_cast %broadcast_in_dim3A_388 : vector<16xi32> to vector<16x1xi32>
      %gather3A_390 = vector.shape_cast %broadcast_in_dim3A_389 : vector<16x1xi32> to vector<16xi32>
      %gather3A_391 = tpu.dynamic_gather %select_n3A_172[%gather3A_390] in [0] : vector<16xf32>, vector<16xi32> -> vector<16xf32>
      %broadcast_in_dim3A_392 = vector.shape_cast %broadcast_in_dim3A_388 : vector<16xi32> to vector<16x1xi32>
      %gather3A_393 = vector.shape_cast %broadcast_in_dim3A_392 : vector<16x1xi32> to vector<16xi32>
      %gather3A_394 = tpu.dynamic_gather %select_n3A_232[%gather3A_393] in [0] : vector<16xf32>, vector<16xi32> -> vector<16xf32>
      %eq3A_395 = arith.constant 0 : i32
      %eq3A_396 = vector.broadcast %eq3A_395 : i32 to vector<16xi32>
      %eq3A_397 = arith.cmpi eq, %iota3A, %eq3A_396 : vector<16xi32>
      %eq3A_398 = arith.constant 1 : i32
      %eq3A_399 = vector.broadcast %eq3A_398 : i32 to vector<16xi32>
      %eq3A_400 = arith.cmpi eq, %iota3A, %eq3A_399 : vector<16xi32>
      %jit3A_401 = arith.constant 0.000000e+00 : f32
      %broadcast_in_dim3A_402 = vector.broadcast %jit3A_401 : f32 to vector<16xf32>
      %select_n3A_403 = arith.select %eq3A_400, %gather3A_394, %broadcast_in_dim3A_402 : vector<16xi1>, vector<16xf32>
      %select_n3A_404 = arith.select %eq3A_397, %gather3A_391, %select_n3A_403 : vector<16xi1>, vector<16xf32>
      %swap3A_405 = arith.constant 4 : i32
      %swap3A_406 = arith.index_cast %swap3A_405 : i32 to index
      %swap3A_407 = arith.constant 0 : index
      %swap3A_408 = tpu.vector_load %arg6[%swap3A_406, %swap3A_407] {strides = array<i32>} : memref<8x16xf32, #tpu.memory_space<vmem>>, vector<1x16xf32>,
      %swap3A_409 = vector.shape_cast %swap3A_408 : vector<1x16xf32> to vector<16xf32>
      %swap3A_410 = vector.shape_cast %select_n3A_404 : vector<16xf32> to vector<1x16xf32>
      tpu.vector_store %arg6[%swap3A_406, %swap3A_407], %swap3A_410 {strides = array<i32>} : memref<8x16xf32, #tpu.memory_space<vmem>>, vector<1x16xf32>,
      %broadcast_in_dim3A_411 = arith.constant 5 : i32
      %broadcast_in_dim3A_412 = vector.broadcast %broadcast_in_dim3A_411 : i32 to vector<16xi32>
      %broadcast_in_dim3A_413 = vector.shape_cast %broadcast_in_dim3A_412 : vector<16xi32> to vector<16x1xi32>
      %gather3A_414 = vector.shape_cast %broadcast_in_dim3A_413 : vector<16x1xi32> to vector<16xi32>
      %gather3A_415 = tpu.dynamic_gather %select_n3A_172[%gather3A_414] in [0] : vector<16xf32>, vector<16xi32> -> vector<16xf32>
      %broadcast_in_dim3A_416 = vector.shape_cast %broadcast_in_dim3A_412 : vector<16xi32> to vector<16x1xi32>
      %gather3A_417 = vector.shape_cast %broadcast_in_dim3A_416 : vector<16x1xi32> to vector<16xi32>
      %gather3A_418 = tpu.dynamic_gather %select_n3A_232[%gather3A_417] in [0] : vector<16xf32>, vector<16xi32> -> vector<16xf32>
      %eq3A_419 = arith.constant 0 : i32
      %eq3A_420 = vector.broadcast %eq3A_419 : i32 to vector<16xi32>
      %eq3A_421 = arith.cmpi eq, %iota3A, %eq3A_420 : vector<16xi32>
      %eq3A_422 = arith.constant 1 : i32
      %eq3A_423 = vector.broadcast %eq3A_422 : i32 to vector<16xi32>
      %eq3A_424 = arith.cmpi eq, %iota3A, %eq3A_423 : vector<16xi32>
      %jit3A_425 = arith.constant 0.000000e+00 : f32
      %broadcast_in_dim3A_426 = vector.broadcast %jit3A_425 : f32 to vector<16xf32>
      %select_n3A_427 = arith.select %eq3A_424, %gather3A_418, %broadcast_in_dim3A_426 : vector<16xi1>, vector<16xf32>
      %select_n3A_428 = arith.select %eq3A_421, %gather3A_415, %select_n3A_427 : vector<16xi1>, vector<16xf32>
      %swap3A_429 = arith.constant 5 : i32
      %swap3A_430 = arith.index_cast %swap3A_429 : i32 to index
      %swap3A_431 = arith.constant 0 : index
      %swap3A_432 = tpu.vector_load %arg6[%swap3A_430, %swap3A_431] {strides = array<i32>} : memref<8x16xf32, #tpu.memory_space<vmem>>, vector<1x16xf32>,
      %swap3A_433 = vector.shape_cast %swap3A_432 : vector<1x16xf32> to vector<16xf32>
      %swap3A_434 = vector.shape_cast %select_n3A_428 : vector<16xf32> to vector<1x16xf32>
      tpu.vector_store %arg6[%swap3A_430, %swap3A_431], %swap3A_434 {strides = array<i32>} : memref<8x16xf32, #tpu.memory_space<vmem>>, vector<1x16xf32>,
      %broadcast_in_dim3A_435 = arith.constant 6 : i32
      %broadcast_in_dim3A_436 = vector.broadcast %broadcast_in_dim3A_435 : i32 to vector<16xi32>
      %broadcast_in_dim3A_437 = vector.shape_cast %broadcast_in_dim3A_436 : vector<16xi32> to vector<16x1xi32>
      %gather3A_438 = vector.shape_cast %broadcast_in_dim3A_437 : vector<16x1xi32> to vector<16xi32>
      %gather3A_439 = tpu.dynamic_gather %select_n3A_172[%gather3A_438] in [0] : vector<16xf32>, vector<16xi32> -> vector<16xf32>
      %broadcast_in_dim3A_440 = vector.shape_cast %broadcast_in_dim3A_436 : vector<16xi32> to vector<16x1xi32>
      %gather3A_441 = vector.shape_cast %broadcast_in_dim3A_440 : vector<16x1xi32> to vector<16xi32>
      %gather3A_442 = tpu.dynamic_gather %select_n3A_232[%gather3A_441] in [0] : vector<16xf32>, vector<16xi32> -> vector<16xf32>
      %eq3A_443 = arith.constant 0 : i32
      %eq3A_444 = vector.broadcast %eq3A_443 : i32 to vector<16xi32>
      %eq3A_445 = arith.cmpi eq, %iota3A, %eq3A_444 : vector<16xi32>
      %eq3A_446 = arith.constant 1 : i32
      %eq3A_447 = vector.broadcast %eq3A_446 : i32 to vector<16xi32>
      %eq3A_448 = arith.cmpi eq, %iota3A, %eq3A_447 : vector<16xi32>
      %jit3A_449 = arith.constant 0.000000e+00 : f32
      %broadcast_in_dim3A_450 = vector.broadcast %jit3A_449 : f32 to vector<16xf32>
      %select_n3A_451 = arith.select %eq3A_448, %gather3A_442, %broadcast_in_dim3A_450 : vector<16xi1>, vector<16xf32>
      %select_n3A_452 = arith.select %eq3A_445, %gather3A_439, %select_n3A_451 : vector<16xi1>, vector<16xf32>
      %swap3A_453 = arith.constant 6 : i32
      %swap3A_454 = arith.index_cast %swap3A_453 : i32 to index
      %swap3A_455 = arith.constant 0 : index
      %swap3A_456 = tpu.vector_load %arg6[%swap3A_454, %swap3A_455] {strides = array<i32>} : memref<8x16xf32, #tpu.memory_space<vmem>>, vector<1x16xf32>,
      %swap3A_457 = vector.shape_cast %swap3A_456 : vector<1x16xf32> to vector<16xf32>
      %swap3A_458 = vector.shape_cast %select_n3A_452 : vector<16xf32> to vector<1x16xf32>
      tpu.vector_store %arg6[%swap3A_454, %swap3A_455], %swap3A_458 {strides = array<i32>} : memref<8x16xf32, #tpu.memory_space<vmem>>, vector<1x16xf32>,
      %broadcast_in_dim3A_459 = arith.constant 7 : i32
      %broadcast_in_dim3A_460 = vector.broadcast %broadcast_in_dim3A_459 : i32 to vector<16xi32>
      %broadcast_in_dim3A_461 = vector.shape_cast %broadcast_in_dim3A_460 : vector<16xi32> to vector<16x1xi32>
      %gather3A_462 = vector.shape_cast %broadcast_in_dim3A_461 : vector<16x1xi32> to vector<16xi32>
      %gather3A_463 = tpu.dynamic_gather %select_n3A_172[%gather3A_462] in [0] : vector<16xf32>, vector<16xi32> -> vector<16xf32>
      %broadcast_in_dim3A_464 = vector.shape_cast %broadcast_in_dim3A_460 : vector<16xi32> to vector<16x1xi32>
      %gather3A_465 = vector.shape_cast %broadcast_in_dim3A_464 : vector<16x1xi32> to vector<16xi32>
      %gather3A_466 = tpu.dynamic_gather %select_n3A_232[%gather3A_465] in [0] : vector<16xf32>, vector<16xi32> -> vector<16xf32>
      %eq3A_467 = arith.constant 0 : i32
      %eq3A_468 = vector.broadcast %eq3A_467 : i32 to vector<16xi32>
      %eq3A_469 = arith.cmpi eq, %iota3A, %eq3A_468 : vector<16xi32>
      %eq3A_470 = arith.constant 1 : i32
      %eq3A_471 = vector.broadcast %eq3A_470 : i32 to vector<16xi32>
      %eq3A_472 = arith.cmpi eq, %iota3A, %eq3A_471 : vector<16xi32>
      %jit3A_473 = arith.constant 0.000000e+00 : f32
      %broadcast_in_dim3A_474 = vector.broadcast %jit3A_473 : f32 to vector<16xf32>
      %select_n3A_475 = arith.select %eq3A_472, %gather3A_466, %broadcast_in_dim3A_474 : vector<16xi1>, vector<16xf32>
      %select_n3A_476 = arith.select %eq3A_469, %gather3A_463, %select_n3A_475 : vector<16xi1>, vector<16xf32>
      %swap3A_477 = arith.constant 7 : i32
      %swap3A_478 = arith.index_cast %swap3A_477 : i32 to index
      %swap3A_479 = arith.constant 0 : index
      %swap3A_480 = tpu.vector_load %arg6[%swap3A_478, %swap3A_479] {strides = array<i32>} : memref<8x16xf32, #tpu.memory_space<vmem>>, vector<1x16xf32>,
      %swap3A_481 = vector.shape_cast %swap3A_480 : vector<1x16xf32> to vector<16xf32>
      %swap3A_482 = vector.shape_cast %select_n3A_476 : vector<16xf32> to vector<1x16xf32>
      tpu.vector_store %arg6[%swap3A_478, %swap3A_479], %swap3A_482 {strides = array<i32>} : memref<8x16xf32, #tpu.memory_space<vmem>>, vector<1x16xf32>,
      "tpu.region"() ({
        %run_scoped3A = tpu.sem_alloc : memref<!tpu.dma_semaphore, #tpu.memory_space<semaphore_mem>>
        tpu.enqueue_dma source(%arg6 : memref<8x16xf32, #tpu.memory_space<vmem>>) target(%arg3 : memref<8x16xf32, #tpu.memory_space<hbm>>) target_semaphore(%run_scoped3A : memref<!tpu.dma_semaphore, #tpu.memory_space<semaphore_mem>>)
        tpu.wait_dma2 semaphore(%run_scoped3A : memref<!tpu.dma_semaphore, #tpu.memory_space<semaphore_mem>>) src(%arg6 : memref<8x16xf32, #tpu.memory_space<vmem>>) dst(%arg3 : memref<8x16xf32, #tpu.memory_space<hbm>>)
        tpu.yield
      }) : () -> ()
      "tpu.region"() ({
        %run_scoped3A = tpu.sem_alloc : memref<!tpu.dma_semaphore, #tpu.memory_space<semaphore_mem>>
        tpu.enqueue_dma source(%arg7 : memref<2x16xi32, #tpu.memory_space<vmem>>) target(%arg4 : memref<2x16xi32, #tpu.memory_space<hbm>>) target_semaphore(%run_scoped3A : memref<!tpu.dma_semaphore, #tpu.memory_space<semaphore_mem>>)
        tpu.wait_dma2 semaphore(%run_scoped3A : memref<!tpu.dma_semaphore, #tpu.memory_space<semaphore_mem>>) src(%arg7 : memref<2x16xi32, #tpu.memory_space<vmem>>) dst(%arg4 : memref<2x16xi32, #tpu.memory_space<hbm>>)
        tpu.yield
      }) : () -> ()
    } else {
    }
    return
  }
}

module attributes {stable_mosaic.version = 14 : i64} {
  func.func @_probsT_body(%arg0: memref<8x2048xf32, #tpu.memory_space<vmem>>, %arg1: memref<8x2048xf32, #tpu.memory_space<vmem>>, %arg2: memref<8x1xf32, #tpu.memory_space<vmem>>, %arg3: memref<8x16xf32, #tpu.memory_space<vmem>>) attributes {dimension_semantics = [], scalar_prefetch = 0 : i64, scratch_operands = 0 : i64, tpu.core_type = #tpu.core_type<tc>} {
    %get3A = arith.constant 0 : index
    %get3A_0 = arith.constant 0 : index
    %get3A_1 = vector.load %arg1[%get3A, %get3A_0] : memref<8x2048xf32, #tpu.memory_space<vmem>>, vector<8x2048xf32>
    %get3A_2 = arith.constant 0 : index
    %get3A_3 = arith.constant 0 : index
    %get3A_4 = vector.load %arg0[%get3A_2, %get3A_3] : memref<8x2048xf32, #tpu.memory_space<vmem>>, vector<8x2048xf32>
    %dot_general3A = arith.constant dense<0.000000e+00> : vector<8x8xf32>
    %dot_general3A_5 = tpu.matmul %get3A_1, %get3A_4, %dot_general3A {dimension_numbers = #tpu.dot_dimension_numbers<[1], [1], [0], [0], [0, 0, 1, 0], [], []>, precision = #tpu.contract_precision<fp32>, transpose_lhs_hint = false} : vector<8x2048xf32>, vector<8x2048xf32>, vector<8x8xf32> -> vector<8x8xf32>
    %get3A_6 = arith.constant 0 : index
    %get3A_7 = arith.constant 0 : index
    %get3A_8 = vector.load %arg2[%get3A_6, %get3A_7] : memref<8x1xf32, #tpu.memory_space<vmem>>, vector<8x1xf32>
    %add3A = vector.broadcast %get3A_8 : vector<8x1xf32> to vector<8x8xf32>
    %add3A_9 = arith.addf %dot_general3A_5, %add3A : vector<8x8xf32>
    %reduce_max3A = arith.constant dense<0xFF800000> : vector<8xf32>
    %reduce_max3A_10 = vector.multi_reduction <maximumf>, %add3A_9, %reduce_max3A [0] : vector<8x8xf32> to vector<8xf32>
    %broadcast_in_dim3A = vector.shape_cast %reduce_max3A_10 : vector<8xf32> to vector<1x8xf32>
    %sub3A = vector.broadcast %broadcast_in_dim3A : vector<1x8xf32> to vector<8x8xf32>
    %sub3A_11 = arith.subf %add3A_9, %sub3A : vector<8x8xf32>
    %exp3A = math.exp %sub3A_11 : vector<8x8xf32>
    %reduce_sum3A = arith.constant dense<0.000000e+00> : vector<8xf32>
    %reduce_sum3A_12 = vector.multi_reduction <add>, %exp3A, %reduce_sum3A [0] : vector<8x8xf32> to vector<8xf32>
    %broadcast_in_dim3A_13 = vector.shape_cast %reduce_sum3A_12 : vector<8xf32> to vector<1x8xf32>
    %div3A = vector.broadcast %broadcast_in_dim3A_13 : vector<1x8xf32> to vector<8x8xf32>
    %div3A_14 = arith.divf %exp3A, %div3A : vector<8x8xf32>
    %broadcast_in_dim3A_15 = arith.constant -1.000000e+00 : f32
    %broadcast_in_dim3A_16 = vector.broadcast %broadcast_in_dim3A_15 : f32 to vector<8x8xf32>
    %concatenate3A = tpu.concatenate %div3A_14, %broadcast_in_dim3A_16 in 1 : vector<8x8xf32>, vector<8x8xf32> -> vector<8x16xf32>
    %swap3A = arith.constant 0 : index
    %swap3A_17 = arith.constant 0 : index
    %swap3A_18 = vector.load %arg3[%swap3A, %swap3A_17] : memref<8x16xf32, #tpu.memory_space<vmem>>, vector<8x16xf32>
    tpu.vector_store %arg3[%swap3A, %swap3A_17], %concatenate3A {strides = array<i32>} : memref<8x16xf32, #tpu.memory_space<vmem>>, vector<8x16xf32>,
    return
  }
}

module attributes {stable_mosaic.version = 14 : i64} {
  func.func @_fused_body(%arg0: i32, %arg1: memref<2x16xi32, #tpu.memory_space<smem>>, %arg2: memref<8x2048xf32, #tpu.memory_space<vmem>>, %arg3: memref<8x16xf32, #tpu.memory_space<vmem>>, %arg4: memref<1x256x2048xf32, #tpu.memory_space<vmem>>, %arg5: memref<1x256x2048xf32, #tpu.memory_space<vmem>>, %arg6: memref<1x256x2048xf32, #tpu.memory_space<vmem>>, %arg7: memref<1x256x2048xf32, #tpu.memory_space<vmem>>, %arg8: memref<1x1x512xf32, #tpu.memory_space<vmem>>, %arg9: memref<1x1x512xf32, #tpu.memory_space<vmem>>, %arg10: memref<256x2048xf32, #tpu.memory_space<vmem>>, %arg11: memref<8x2048xf32, #tpu.memory_space<vmem>>, %arg12: memref<1x8xf32, #tpu.memory_space<vmem>>, %arg13: memref<256x4096xf32, #tpu.memory_space<vmem>>, %arg14: memref<1x1xf32, #tpu.memory_space<smem>>, %arg15: memref<8x4096xf32, #tpu.memory_space<vmem>>) attributes {dimension_semantics = [#tpu.dimension_semantics<arbitrary>], iteration_bounds = array<i64: 8>, scalar_prefetch = 1 : i64, scratch_operands = 1 : i64, tpu.core_type = #tpu.core_type<tc>, window_params = [{pipeline_mode = #tpu.pipeline_mode<synchronous>, transform_indices = @transform_0, window_bounds = array<i64: 8, 2048>}, {pipeline_mode = #tpu.pipeline_mode<synchronous>, transform_indices = @transform_1, window_bounds = array<i64: 8, 16>}, {transform_indices = @transform_2, window_bounds = array<i64: 1, 256, 2048>}, {transform_indices = @transform_3, window_bounds = array<i64: 1, 256, 2048>}, {transform_indices = @transform_4, window_bounds = array<i64: 1, 256, 2048>}, {transform_indices = @transform_5, window_bounds = array<i64: 1, 256, 2048>}, {transform_indices = @transform_6, window_bounds = array<i64: 1, 1, 512>}, {transform_indices = @transform_7, window_bounds = array<i64: 1, 1, 512>}, {transform_indices = @transform_8, window_bounds = array<i64: 256, 2048>}, {pipeline_mode = #tpu.pipeline_mode<synchronous>, transform_indices = @transform_9, window_bounds = array<i64: 8, 2048>}, {pipeline_mode = #tpu.pipeline_mode<synchronous>, transform_indices = @transform_10, window_bounds = array<i64: 1, 8>}, {transform_indices = @transform_11, window_bounds = array<i64: 256, 4096>}, {transform_indices = @transform_12, window_bounds = array<i64: 1, 1>}]} {
    %get3A = arith.constant 0 : index
    %get3A_0 = arith.constant 0 : index
    %get3A_1 = vector.load %arg2[%get3A, %get3A_0] : memref<8x2048xf32, #tpu.memory_space<vmem>>, vector<8x2048xf32>
    %get3A_2 = arith.constant 0 : index
    %get3A_3 = arith.constant 0 : index
    %get3A_4 = arith.constant 0 : index
    %get3A_5 = vector.load %arg4[%get3A_2, %get3A_3, %get3A_4] : memref<1x256x2048xf32, #tpu.memory_space<vmem>>, vector<1x256x2048xf32>
    %get3A_6 = vector.shape_cast %get3A_5 : vector<1x256x2048xf32> to vector<256x2048xf32>
    %dot_general3A = arith.constant dense<0.000000e+00> : vector<8x256xf32>
    %dot_general3A_7 = tpu.matmul %get3A_1, %get3A_6, %dot_general3A {dimension_numbers = #tpu.dot_dimension_numbers<[1], [1], [0], [0], [0, 0, 1, 0], [], []>, transpose_lhs_hint = false} : vector<8x2048xf32>, vector<256x2048xf32>, vector<8x256xf32> -> vector<8x256xf32>
    %get3A_8 = arith.constant 0 : index
    %get3A_9 = arith.constant 0 : index
    %get3A_10 = vector.load %arg2[%get3A_8, %get3A_9] : memref<8x2048xf32, #tpu.memory_space<vmem>>, vector<8x2048xf32>
    %get3A_11 = arith.constant 0 : index
    %get3A_12 = arith.constant 0 : index
    %get3A_13 = arith.constant 0 : index
    %get3A_14 = vector.load %arg6[%get3A_11, %get3A_12, %get3A_13] : memref<1x256x2048xf32, #tpu.memory_space<vmem>>, vector<1x256x2048xf32>
    %get3A_15 = vector.shape_cast %get3A_14 : vector<1x256x2048xf32> to vector<256x2048xf32>
    %dot_general3A_16 = arith.constant dense<0.000000e+00> : vector<8x256xf32>
    %dot_general3A_17 = tpu.matmul %get3A_10, %get3A_15, %dot_general3A_16 {dimension_numbers = #tpu.dot_dimension_numbers<[1], [1], [0], [0], [0, 0, 1, 0], [], []>, transpose_lhs_hint = false} : vector<8x2048xf32>, vector<256x2048xf32>, vector<8x256xf32> -> vector<8x256xf32>
    %get3A_18 = arith.constant 0 : index
    %get3A_19 = arith.constant 0 : index
    %get3A_20 = arith.constant 0 : index
    %get3A_21 = vector.load %arg8[%get3A_18, %get3A_19, %get3A_20] : memref<1x1x512xf32, #tpu.memory_space<vmem>>, vector<1x1x256xf32>
    %get3A_22 = vector.shape_cast %get3A_21 : vector<1x1x256xf32> to vector<1x256xf32>
    %add3A = vector.broadcast %get3A_22 : vector<1x256xf32> to vector<8x256xf32>
    %add3A_23 = arith.addf %dot_general3A_7, %add3A : vector<8x256xf32>
    %get3A_24 = arith.constant 0 : index
    %get3A_25 = arith.constant 0 : index
    %get3A_26 = vector.load %arg3[%get3A_24, %get3A_25] : memref<8x16xf32, #tpu.memory_space<vmem>>, vector<8x1xf32>
    %mul3A = vector.broadcast %get3A_26 : vector<8x1xf32> to vector<8x256xf32>
    %mul3A_27 = arith.mulf %add3A_23, %mul3A : vector<8x256xf32>
    %get3A_28 = arith.constant 0 : index
    %get3A_29 = arith.constant 0 : index
    %get3A_30 = arith.constant 0 : index
    %get3A_31 = vector.load %arg9[%get3A_28, %get3A_29, %get3A_30] : memref<1x1x512xf32, #tpu.memory_space<vmem>>, vector<1x1x256xf32>
    %get3A_32 = vector.shape_cast %get3A_31 : vector<1x1x256xf32> to vector<1x256xf32>
    %add3A_33 = vector.broadcast %get3A_32 : vector<1x256xf32> to vector<8x256xf32>
    %add3A_34 = arith.addf %dot_general3A_17, %add3A_33 : vector<8x256xf32>
    %get3A_35 = arith.constant 0 : index
    %get3A_36 = arith.constant 1 : index
    %get3A_37 = vector.load %arg3[%get3A_35, %get3A_36] : memref<8x16xf32, #tpu.memory_space<vmem>>, vector<8x1xf32>
    %mul3A_38 = vector.broadcast %get3A_37 : vector<8x1xf32> to vector<8x256xf32>
    %mul3A_39 = arith.mulf %add3A_34, %mul3A_38 : vector<8x256xf32>
    %add3A_40 = arith.addf %mul3A_27, %mul3A_39 : vector<8x256xf32>
    %mul3A_41 = arith.constant 512 : i32
    %mul3A_42 = arith.muli %arg0, %mul3A_41 : i32
    %add3A_43 = arith.constant 0 : i32
    %add3A_44 = arith.addi %mul3A_42, %add3A_43 : i32
    %swap3A = arith.constant 0 : index
    %swap3A_45 = arith.index_cast %add3A_44 : i32 to index
    %swap3A_46 = vector.load %arg15[%swap3A, %swap3A_45] : memref<8x4096xf32, #tpu.memory_space<vmem>>, vector<8x256xf32>
    tpu.vector_store %arg15[%swap3A, %swap3A_45], %add3A_40 {strides = array<i32>} : memref<8x4096xf32, #tpu.memory_space<vmem>>, vector<8x256xf32>,
    %get3A_47 = arith.constant 0 : index
    %get3A_48 = arith.constant 0 : index
    %get3A_49 = vector.load %arg2[%get3A_47, %get3A_48] : memref<8x2048xf32, #tpu.memory_space<vmem>>, vector<8x2048xf32>
    %get3A_50 = arith.constant 0 : index
    %get3A_51 = arith.constant 0 : index
    %get3A_52 = arith.constant 0 : index
    %get3A_53 = vector.load %arg5[%get3A_50, %get3A_51, %get3A_52] : memref<1x256x2048xf32, #tpu.memory_space<vmem>>, vector<1x256x2048xf32>
    %get3A_54 = vector.shape_cast %get3A_53 : vector<1x256x2048xf32> to vector<256x2048xf32>
    %dot_general3A_55 = arith.constant dense<0.000000e+00> : vector<8x256xf32>
    %dot_general3A_56 = tpu.matmul %get3A_49, %get3A_54, %dot_general3A_55 {dimension_numbers = #tpu.dot_dimension_numbers<[1], [1], [0], [0], [0, 0, 1, 0], [], []>, transpose_lhs_hint = false} : vector<8x2048xf32>, vector<256x2048xf32>, vector<8x256xf32> -> vector<8x256xf32>
    %get3A_57 = arith.constant 0 : index
    %get3A_58 = arith.constant 0 : index
    %get3A_59 = vector.load %arg2[%get3A_57, %get3A_58] : memref<8x2048xf32, #tpu.memory_space<vmem>>, vector<8x2048xf32>
    %get3A_60 = arith.constant 0 : index
    %get3A_61 = arith.constant 0 : index
    %get3A_62 = arith.constant 0 : index
    %get3A_63 = vector.load %arg7[%get3A_60, %get3A_61, %get3A_62] : memref<1x256x2048xf32, #tpu.memory_space<vmem>>, vector<1x256x2048xf32>
    %get3A_64 = vector.shape_cast %get3A_63 : vector<1x256x2048xf32> to vector<256x2048xf32>
    %dot_general3A_65 = arith.constant dense<0.000000e+00> : vector<8x256xf32>
    %dot_general3A_66 = tpu.matmul %get3A_59, %get3A_64, %dot_general3A_65 {dimension_numbers = #tpu.dot_dimension_numbers<[1], [1], [0], [0], [0, 0, 1, 0], [], []>, transpose_lhs_hint = false} : vector<8x2048xf32>, vector<256x2048xf32>, vector<8x256xf32> -> vector<8x256xf32>
    %get3A_67 = arith.constant 0 : index
    %get3A_68 = arith.constant 0 : index
    %get3A_69 = arith.constant 256 : index
    %get3A_70 = vector.load %arg8[%get3A_67, %get3A_68, %get3A_69] : memref<1x1x512xf32, #tpu.memory_space<vmem>>, vector<1x1x256xf32>
    %get3A_71 = vector.shape_cast %get3A_70 : vector<1x1x256xf32> to vector<1x256xf32>
    %add3A_72 = vector.broadcast %get3A_71 : vector<1x256xf32> to vector<8x256xf32>
    %add3A_73 = arith.addf %dot_general3A_56, %add3A_72 : vector<8x256xf32>
    %get3A_74 = arith.constant 0 : index
    %get3A_75 = arith.constant 0 : index
    %get3A_76 = vector.load %arg3[%get3A_74, %get3A_75] : memref<8x16xf32, #tpu.memory_space<vmem>>, vector<8x1xf32>
    %mul3A_77 = vector.broadcast %get3A_76 : vector<8x1xf32> to vector<8x256xf32>
    %mul3A_78 = arith.mulf %add3A_73, %mul3A_77 : vector<8x256xf32>
    %get3A_79 = arith.constant 0 : index
    %get3A_80 = arith.constant 0 : index
    %get3A_81 = arith.constant 256 : index
    %get3A_82 = vector.load %arg9[%get3A_79, %get3A_80, %get3A_81] : memref<1x1x512xf32, #tpu.memory_space<vmem>>, vector<1x1x256xf32>
    %get3A_83 = vector.shape_cast %get3A_82 : vector<1x1x256xf32> to vector<1x256xf32>
    %add3A_84 = vector.broadcast %get3A_83 : vector<1x256xf32> to vector<8x256xf32>
    %add3A_85 = arith.addf %dot_general3A_66, %add3A_84 : vector<8x256xf32>
    %get3A_86 = arith.constant 0 : index
    %get3A_87 = arith.constant 1 : index
    %get3A_88 = vector.load %arg3[%get3A_86, %get3A_87] : memref<8x16xf32, #tpu.memory_space<vmem>>, vector<8x1xf32>
    %mul3A_89 = vector.broadcast %get3A_88 : vector<8x1xf32> to vector<8x256xf32>
    %mul3A_90 = arith.mulf %add3A_85, %mul3A_89 : vector<8x256xf32>
    %add3A_91 = arith.addf %mul3A_78, %mul3A_90 : vector<8x256xf32>
    %mul3A_92 = arith.constant 512 : i32
    %mul3A_93 = arith.muli %arg0, %mul3A_92 : i32
    %add3A_94 = arith.constant 256 : i32
    %add3A_95 = arith.addi %mul3A_93, %add3A_94 : i32
    %swap3A_96 = arith.constant 0 : index
    %swap3A_97 = arith.index_cast %add3A_95 : i32 to index
    %swap3A_98 = vector.load %arg15[%swap3A_96, %swap3A_97] : memref<8x4096xf32, #tpu.memory_space<vmem>>, vector<8x256xf32>
    tpu.vector_store %arg15[%swap3A_96, %swap3A_97], %add3A_91 {strides = array<i32>} : memref<8x4096xf32, #tpu.memory_space<vmem>>, vector<8x256xf32>,
    %get3A_99 = arith.constant 0 : index
    %get3A_100 = arith.constant 0 : index
    %get3A_101 = vector.load %arg10[%get3A_99, %get3A_100] : memref<256x2048xf32, #tpu.memory_space<vmem>>, vector<256x2048xf32>
    %get3A_102 = arith.constant 0 : index
    %get3A_103 = arith.constant 0 : index
    %get3A_104 = vector.load %arg11[%get3A_102, %get3A_103] : memref<8x2048xf32, #tpu.memory_space<vmem>>, vector<8x2048xf32>
    %dot_general3A_105 = arith.constant dense<0.000000e+00> : vector<256x8xf32>
    %dot_general3A_106 = tpu.matmul %get3A_101, %get3A_104, %dot_general3A_105 {dimension_numbers = #tpu.dot_dimension_numbers<[1], [1], [0], [0], [0, 0, 1, 0], [], []>, transpose_lhs_hint = false} : vector<256x2048xf32>, vector<8x2048xf32>, vector<256x8xf32> -> vector<256x8xf32>
    %get3A_107 = arith.constant 0 : index
    %get3A_108 = arith.constant 0 : index
    %get3A_109 = vector.load %arg12[%get3A_107, %get3A_108] : memref<1x8xf32, #tpu.memory_space<vmem>>, vector<1x8xf32>
    %add3A_110 = vector.broadcast %get3A_109 : vector<1x8xf32> to vector<256x8xf32>
    %add3A_111 = arith.addf %dot_general3A_106, %add3A_110 : vector<256x8xf32>
    %reduce_max3A = arith.constant dense<0xFF800000> : vector<256xf32>
    %reduce_max3A_112 = vector.multi_reduction <maximumf>, %add3A_111, %reduce_max3A [1] : vector<256x8xf32> to vector<256xf32>
    %broadcast_in_dim3A = vector.shape_cast %reduce_max3A_112 : vector<256xf32> to vector<256x1xf32>
    %sub3A = vector.broadcast %broadcast_in_dim3A : vector<256x1xf32> to vector<256x8xf32>
    %sub3A_113 = arith.subf %add3A_111, %sub3A : vector<256x8xf32>
    %exp3A = math.exp %sub3A_113 : vector<256x8xf32>
    %reduce_sum3A = arith.constant dense<0.000000e+00> : vector<256xf32>
    %reduce_sum3A_114 = vector.multi_reduction <add>, %exp3A, %reduce_sum3A [1] : vector<256x8xf32> to vector<256xf32>
    %broadcast_in_dim3A_115 = vector.shape_cast %reduce_sum3A_114 : vector<256xf32> to vector<256x1xf32>
    %div3A = vector.broadcast %broadcast_in_dim3A_115 : vector<256x1xf32> to vector<256x8xf32>
    %div3A_116 = arith.divf %exp3A, %div3A : vector<256x8xf32>
    %add3A_117 = arith.constant 1.000000e-10 : f32
    %add3A_118 = vector.broadcast %add3A_117 : f32 to vector<256x8xf32>
    %add3A_119 = arith.addf %div3A_116, %add3A_118 : vector<256x8xf32>
    %log3A = math.log %add3A_119 : vector<256x8xf32>
    %mul3A_120 = arith.mulf %div3A_116, %log3A : vector<256x8xf32>
    %reduce_sum3A_121 = vector.shape_cast %mul3A_120 : vector<256x8xf32> to vector<1x256x8xf32>
    %reduce_sum3A_122 = arith.constant dense<0.000000e+00> : vector<1xf32>
    %reduce_sum3A_123 = vector.multi_reduction <add>, %reduce_sum3A_121, %reduce_sum3A_122 [1, 2] : vector<1x256x8xf32> to vector<1xf32>
    %reduce_sum3A_124 = vector.shape_cast %reduce_sum3A_123 : vector<1xf32> to vector<1x1x1xf32>
    %reduce_sum3A_125 = vector.extract %reduce_sum3A_124[0, 0, 0] : f32 from vector<1x1x1xf32>
    %neg3A = arith.constant 0.000000e+00 : f32
    %neg3A_126 = arith.subf %neg3A, %reduce_sum3A_125 : f32
    %eq3A = arith.constant 0 : i32
    %eq3A_127 = arith.cmpi eq, %arg0, %eq3A : i32
    %convert_element_type3A = arith.extui %eq3A_127 : i1 to i32
    %cond3A = arith.constant 0 : i32
    %cond3A_128 = arith.cmpi ne, %convert_element_type3A, %cond3A : i32
    scf.if %cond3A_128 {
      %swap3A_143 = arith.constant 0 : index
      %swap3A_144 = arith.constant 0 : index
      %swap3A_145 = memref.load %arg14[%swap3A_143, %swap3A_144] : memref<1x1xf32, #tpu.memory_space<smem>>
      memref.store %neg3A_126, %arg14[%swap3A_143, %swap3A_144] : memref<1x1xf32, #tpu.memory_space<smem>>
    } else {
    }
    %ne3A = arith.constant 0 : i32
    %ne3A_129 = arith.cmpi ne, %arg0, %ne3A : i32
    %convert_element_type3A_130 = arith.extui %ne3A_129 : i1 to i32
    %cond3A_131 = arith.constant 0 : i32
    %cond3A_132 = arith.cmpi ne, %convert_element_type3A_130, %cond3A_131 : i32
    scf.if %cond3A_132 {
      %get3A_143 = arith.constant 0 : index
      %get3A_144 = arith.constant 0 : index
      %get3A_145 = memref.load %arg14[%get3A_143, %get3A_144] : memref<1x1xf32, #tpu.memory_space<smem>>
      %add3A_146 = arith.addf %get3A_145, %neg3A_126 : f32
      %swap3A_147 = arith.constant 0 : index
      %swap3A_148 = arith.constant 0 : index
      %swap3A_149 = memref.load %arg14[%swap3A_147, %swap3A_148] : memref<1x1xf32, #tpu.memory_space<smem>>
      memref.store %add3A_146, %arg14[%swap3A_147, %swap3A_148] : memref<1x1xf32, #tpu.memory_space<smem>>
    } else {
    }
    %broadcast_in_dim3A_133 = arith.constant 0.000000e+00 : f32
    %broadcast_in_dim3A_134 = vector.broadcast %broadcast_in_dim3A_133 : f32 to vector<256x4096xf32>
    %swap3A_135 = arith.constant 0 : index
    %swap3A_136 = arith.constant 0 : index
    %swap3A_137 = vector.load %arg13[%swap3A_135, %swap3A_136] : memref<256x4096xf32, #tpu.memory_space<vmem>>, vector<256x4096xf32>
    tpu.vector_store %arg13[%swap3A_135, %swap3A_136], %broadcast_in_dim3A_134 {strides = array<i32>} : memref<256x4096xf32, #tpu.memory_space<vmem>>, vector<256x4096xf32>,
    %eq3A_138 = arith.constant 7 : i32
    %eq3A_139 = arith.cmpi eq, %arg0, %eq3A_138 : i32
    %convert_element_type3A_140 = arith.extui %eq3A_139 : i1 to i32
    %cond3A_141 = arith.constant 0 : i32
    %cond3A_142 = arith.cmpi ne, %convert_element_type3A_140, %cond3A_141 : i32
    scf.if %cond3A_142 {
      %get3A_143 = arith.constant 0 : index
      %get3A_144 = arith.constant 0 : index
      %get3A_145 = vector.load %arg15[%get3A_143, %get3A_144] : memref<8x4096xf32, #tpu.memory_space<vmem>>, vector<8x4096xf32>
      %swap3A_146 = arith.constant 0 : index
      %swap3A_147 = arith.constant 0 : index
      %swap3A_148 = vector.load %arg13[%swap3A_146, %swap3A_147] : memref<256x4096xf32, #tpu.memory_space<vmem>>, vector<8x4096xf32>
      tpu.vector_store %arg13[%swap3A_146, %swap3A_147], %get3A_145 {strides = array<i32>} : memref<256x4096xf32, #tpu.memory_space<vmem>>, vector<8x4096xf32>,
    } else {
    }
    return
  }
  func.func @transform_0(%arg0: i32, %arg1: memref<2x16xi32, #tpu.memory_space<smem>>) -> (i32, i32) {
    %c0_i32 = arith.constant 0 : i32
    %c0_i32_0 = arith.constant 0 : i32
    %c0_i32_1 = arith.constant 0 : i32
    return %c0_i32, %c0_i32_0 : i32, i32
  }
  func.func @transform_1(%arg0: i32, %arg1: memref<2x16xi32, #tpu.memory_space<smem>>) -> (i32, i32) {
    %c0_i32 = arith.constant 0 : i32
    %c0_i32_0 = arith.constant 0 : i32
    %c0_i32_1 = arith.constant 0 : i32
    return %c0_i32, %c0_i32_0 : i32, i32
  }
  func.func @transform_2(%arg0: i32, %arg1: memref<2x16xi32, #tpu.memory_space<smem>>) -> (i32, i32, i32) {
    %get3A = arith.constant 0 : index
    %get3A_0 = arith.constant 0 : index
    %get3A_1 = memref.load %arg1[%get3A, %get3A_0] : memref<2x16xi32, #tpu.memory_space<smem>>
    %mul3A = arith.constant 2 : i32
    %mul3A_2 = arith.muli %mul3A, %arg0 : i32
    %c0_i32 = arith.constant 0 : i32
    %c0_i32_3 = arith.constant 0 : i32
    return %get3A_1, %mul3A_2, %c0_i32 : i32, i32, i32
  }
  func.func @transform_3(%arg0: i32, %arg1: memref<2x16xi32, #tpu.memory_space<smem>>) -> (i32, i32, i32) {
    %get3A = arith.constant 0 : index
    %get3A_0 = arith.constant 0 : index
    %get3A_1 = memref.load %arg1[%get3A, %get3A_0] : memref<2x16xi32, #tpu.memory_space<smem>>
    %mul3A = arith.constant 2 : i32
    %mul3A_2 = arith.muli %mul3A, %arg0 : i32
    %add3A = arith.constant 1 : i32
    %add3A_3 = arith.addi %mul3A_2, %add3A : i32
    %c0_i32 = arith.constant 0 : i32
    %c0_i32_4 = arith.constant 0 : i32
    return %get3A_1, %add3A_3, %c0_i32 : i32, i32, i32
  }
  func.func @transform_4(%arg0: i32, %arg1: memref<2x16xi32, #tpu.memory_space<smem>>) -> (i32, i32, i32) {
    %get3A = arith.constant 1 : index
    %get3A_0 = arith.constant 0 : index
    %get3A_1 = memref.load %arg1[%get3A, %get3A_0] : memref<2x16xi32, #tpu.memory_space<smem>>
    %mul3A = arith.constant 2 : i32
    %mul3A_2 = arith.muli %mul3A, %arg0 : i32
    %c0_i32 = arith.constant 0 : i32
    %c0_i32_3 = arith.constant 0 : i32
    return %get3A_1, %mul3A_2, %c0_i32 : i32, i32, i32
  }
  func.func @transform_5(%arg0: i32, %arg1: memref<2x16xi32, #tpu.memory_space<smem>>) -> (i32, i32, i32) {
    %get3A = arith.constant 1 : index
    %get3A_0 = arith.constant 0 : index
    %get3A_1 = memref.load %arg1[%get3A, %get3A_0] : memref<2x16xi32, #tpu.memory_space<smem>>
    %mul3A = arith.constant 2 : i32
    %mul3A_2 = arith.muli %mul3A, %arg0 : i32
    %add3A = arith.constant 1 : i32
    %add3A_3 = arith.addi %mul3A_2, %add3A : i32
    %c0_i32 = arith.constant 0 : i32
    %c0_i32_4 = arith.constant 0 : i32
    return %get3A_1, %add3A_3, %c0_i32 : i32, i32, i32
  }
  func.func @transform_6(%arg0: i32, %arg1: memref<2x16xi32, #tpu.memory_space<smem>>) -> (i32, i32, i32) {
    %get3A = arith.constant 0 : index
    %get3A_0 = arith.constant 0 : index
    %get3A_1 = memref.load %arg1[%get3A, %get3A_0] : memref<2x16xi32, #tpu.memory_space<smem>>
    %c0_i32 = arith.constant 0 : i32
    %c0_i32_2 = arith.constant 0 : i32
    return %get3A_1, %c0_i32, %arg0 : i32, i32, i32
  }
  func.func @transform_7(%arg0: i32, %arg1: memref<2x16xi32, #tpu.memory_space<smem>>) -> (i32, i32, i32) {
    %get3A = arith.constant 1 : index
    %get3A_0 = arith.constant 0 : index
    %get3A_1 = memref.load %arg1[%get3A, %get3A_0] : memref<2x16xi32, #tpu.memory_space<smem>>
    %c0_i32 = arith.constant 0 : i32
    %c0_i32_2 = arith.constant 0 : i32
    return %get3A_1, %c0_i32, %arg0 : i32, i32, i32
  }
  func.func @transform_8(%arg0: i32, %arg1: memref<2x16xi32, #tpu.memory_space<smem>>) -> (i32, i32) {
    %sub3A = arith.constant 7 : i32
    %sub3A_0 = arith.subi %sub3A, %arg0 : i32
    %c0_i32 = arith.constant 0 : i32
    %c0_i32_1 = arith.constant 0 : i32
    return %sub3A_0, %c0_i32 : i32, i32
  }
  func.func @transform_9(%arg0: i32, %arg1: memref<2x16xi32, #tpu.memory_space<smem>>) -> (i32, i32) {
    %c0_i32 = arith.constant 0 : i32
    %c0_i32_0 = arith.constant 0 : i32
    %c0_i32_1 = arith.constant 0 : i32
    return %c0_i32, %c0_i32_0 : i32, i32
  }
  func.func @transform_10(%arg0: i32, %arg1: memref<2x16xi32, #tpu.memory_space<smem>>) -> (i32, i32) {
    %c0_i32 = arith.constant 0 : i32
    %c0_i32_0 = arith.constant 0 : i32
    %c0_i32_1 = arith.constant 0 : i32
    return %c0_i32, %c0_i32_0 : i32, i32
  }
  func.func @transform_11(%arg0: i32, %arg1: memref<2x16xi32, #tpu.memory_space<smem>>) -> (i32, i32) {
    %sub3A = arith.constant 7 : i32
    %sub3A_0 = arith.subi %sub3A, %arg0 : i32
    %c0_i32 = arith.constant 0 : i32
    %c0_i32_1 = arith.constant 0 : i32
    return %sub3A_0, %c0_i32 : i32, i32
  }
  func.func @transform_12(%arg0: i32, %arg1: memref<2x16xi32, #tpu.memory_space<smem>>) -> (i32, i32) {
    %c0_i32 = arith.constant 0 : i32
    %c0_i32_0 = arith.constant 0 : i32
    %c0_i32_1 = arith.constant 0 : i32
    return %c0_i32, %c0_i32_0 : i32, i32
  }
}

</mosaic_0001>

<sc_bundles>
// kernel: kernel.5.cloned.1.call-start
scs
__scs_entry_jumppad:
0x0: {  	(pc) =	sbr.rel $0x88, $3  }
0x1: {  	(tag) =	ssettag $0x0;
	lr =	simm.s32 $0x1  }
0x2: {  	[smem:$0x3F9C] =	sst lr;
	_ =	strace $0xD0000000  }
0x3: {  	_ = 	snop  }
0x4: {  	_ = 	snop  }
0x5: {  	_ = 	snop  }
0x6: {  	_ = 	snop  }
0x7: {  	_ = 	snop  }
__scs_overlays_trampoline_lowered:
0x8: {  	[smem:$0x3FAB] =	sst s0  }
0x9: {  	[smem:$0x3FAC] =	sst s1  }
0xa: {  	[smem:$0x3FAD] =	sst s2  }
0xb: {  	[smem:$0x3FAE] =	sst s3  }
0xc: {  	[smem:$0x3FAF] =	sst s4  }
0xd: {  	[smem:$0x3FB0] =	sst s5  }
0xe: {  	[smem:$0x3FB1] =	sst s6  }
0xf: {  	[smem:$0x3FB2] =	sst s7  }
0x10: {  	[smem:$0x3FB3] =	sst s8  }
0x11: {  	[smem:$0x3FB4] =	sst s9;
	s0 =	simm.s32 @!p0 $0x0  }
0x12: {  	s1 =	sld [smem:$0x3F9A];
	s0 =	simm.s32 @p0 $0x1  }
0x13: {  	[smem:$0x3FB5] =	sst s0;
	s0 =	simm.s32 @!p1 $0x0  }
0x14: {  	s2 =	sld [smem:$0x3F99];
	s0 =	simm.s32 @p1 $0x1  }
0x15: {  	[smem:$0x3FB6] =	sst s0;
	s0 =	simm.s32 @!p2 $0x0  }
0x16: {  	s3 =	sld [smem:$0x3FDB];
	s0 =	simm.s32 @p2 $0x1  }
0x17: {  	s4 =	simm.s32 $0x1BF5;
	[smem:$0x3FB8] =	sst s0  }
0x18: {  	s0 =	sld [smem:$0x3F9B];
	_ =	swait.ge [sflag:s4], $0x0  }
0x19: {  	s7 =	sld [smem:$0x3F9C]  }
0x1a: {  	s8 =	sadd.s32 $0xFFFFE003, lr  }
0x1b: {  	s9 =	sadd.s32 $0xFFFFFEF7, lr;
	s5 =	simm.s32 $0xFFFFFFFF;
	p2 =	slt.u32 s8, $0xFFFFF086  }
0x1c: {  	p1 =	slt.u32 s9, $0xF7A;
	s5 =	simm.s32 @!p2 $0x0  }
0x1d: {  	s5 =	simm.s32 @p1 $0x1;
	p0 =	seq.s32 s7, s2  }
0x1e: {  	s7 =	smul.u32 @!p0 $0xF7A, s2;
	p2 =	seq.s32 @!p0 s5, $0x0  }
0x1f: {  	s9 =	smul.u32 $0xF7A, s1;
	s8 =	simm.s32 @!p0 $0x1BF5;
	p2 =	por !p2, p0  }
0x20: {  	[sflag:s8] =	ssyncset.s32 @!p0 $0xFFFFF086;
	s6 =	sadd.s32 @!p0 s3, s7;
	s7 =	simm.s32 @!p0 $0x108  }
0x21: {  	s3 =	sadd.s32 s3, s9;
	s6 =	sadd.s32 @!p0 $0x88, s6;
	s7 =	simm.s32 @p2 $0x1082  }
0x22: {  	[simem:s7], [sflag:s8] =	dma.local @!p0 [hbm:s6], $0xF7A  }
0x23: {  	s9 =	sor.u32 $0xD0000000, s2;
	s6 =	simm.s32 $0x108;
	_ =	swait.ge @!p0 [sflag:s8], $0x0  }
0x24: {  	s3 =	sadd.s32 $0x88, s3;
	s6 =	simm.s32 @!p1 $0x1082;
	[sflag:s4] =	ssyncset.s32 $0xFFFFF086  }
0x25: {  	[simem:s6], [sflag:s4] =	dma.local [hbm:s3], $0xF7A  }
0x26: {  	[smem:$0x3F9C] =	sst s1;
	(tag) =	ssettag s2;
	_ =	strace s9  }
0x27: {  	s1 =	sld [smem:$0x3FAC]  }
0x28: {  	s2 =	sld [smem:$0x3FAD]  }
0x29: {  	s4 =	sld [smem:$0x3FAF]  }
0x2a: {  	p0 =	seq.s32 s5, $0x0;
	s5 =	sld [smem:$0x3FB0]  }
0x2b: {  	s6 =	sld [smem:$0x3FB1]  }
0x2c: {  	s7 =	sld [smem:$0x3FB2]  }
0x2d: {  	s3 =	simm.s32 $0x108;
	s8 =	sld [smem:$0x3FB3]  }
0x2e: {  	s3 =	simm.s32 @!p0 $0x1082;
	s9 =	sld [smem:$0x3FB4]  }
0x2f: {  	lr =	sadd.s32 s0, s3;
	s0 =	sld [smem:$0x3FAB]  }
0x30: {  	s3 =	sld [smem:$0x3FAE]  }
0x31: {  	[smem:$0x3FB7] =	sst s10  }
0x32: {  	s10 =	sld [smem:$0x3FB5];
	_ =	sdelay $0x3  }
0x33: {  	p0 =	seq.s32 s10, $0x1;
	s10 =	sld [smem:$0x3FB7];
	_ =	sdelay $0x3  }
0x34: {  	[smem:$0x3FB7] =	sst s10  }
0x35: {  	s10 =	sld [smem:$0x3FB6];
	_ =	sdelay $0x3  }
0x36: {  	p1 =	seq.s32 s10, $0x1;
	s10 =	sld [smem:$0x3FB7];
	_ =	sdelay $0x3  }
0x37: {  	[smem:$0x3FB7] =	sst s10  }
0x38: {  	s10 =	sld [smem:$0x3FB8]  }
0x39: {  	_ = 	snop;
	(pc) =	sbr.ind lr, $3  }
0x3a: {  	_ = 	snop  }
0x3b: {  	_ = 	snop  }
0x3c: {  	p2 =	seq.s32 s10, $0x1;
	s10 =	sld [smem:$0x3FB7]  }
0x3d: {  	_ =	shalt  }
0x3e: {  	_ =	shalt  }
0x3f: {  	_ =	shalt  }
0x40: {  	_ =	shalt  }
0x41: {  	_ =	shalt  }
0x42: {  	_ =	shalt  }
0x43: {  	_ =	shalt  }
0x44: {  	_ =	shalt  }
0x45: {  	_ =	shalt  }
0x46: {  	_ =	shalt  }
0x47: {  	_ =	shalt  }
0x48: {  	_ =	shalt  }
0x49: {  	_ =	shalt  }
0x4a: {  	_ =	shalt  }
0x4b: {  	_ =	shalt  }
0x4c: {  	_ =	shalt  }
0x4d: {  	_ =	shalt  }
0x4e: {  	_ =	shalt  }
0x4f: {  	_ =	shalt  }
0x50: {  	_ =	shalt  }
0x51: {  	_ =	shalt  }
0x52: {  	_ =	shalt  }
0x53: {  	_ =	shalt  }
0x54: {  	_ =	shalt  }
0x55: {  	_ =	shalt  }
0x56: {  	_ =	shalt  }
0x57: {  	_ =	shalt  }
0x58: {  	_ =	shalt  }
0x59: {  	_ =	shalt  }
0x5a: {  	_ =	shalt  }
0x5b: {  	_ =	shalt  }
0x5c: {  	_ =	shalt  }
0x5d: {  	_ =	shalt  }
0x5e: {  	_ =	shalt  }
0x5f: {  	_ =	shalt  }
0x60: {  	_ =	shalt  }
0x61: {  	_ =	shalt  }
0x62: {  	_ =	shalt  }
0x63: {  	_ =	shalt  }
0x64: {  	_ =	shalt  }
0x65: {  	_ =	shalt  }
0x66: {  	_ =	shalt  }
0x67: {  	_ =	shalt  }
0x68: {  	_ =	shalt  }
0x69: {  	_ =	shalt  }
0x6a: {  	_ =	shalt  }
0x6b: {  	_ =	shalt  }
0x6c: {  	_ =	shalt  }
0x6d: {  	_ =	shalt  }
0x6e: {  	_ =	shalt  }
0x6f: {  	_ =	shalt  }
0x70: {  	_ =	shalt  }
0x71: {  	_ =	shalt  }
0x72: {  	_ =	shalt  }
0x73: {  	_ =	shalt  }
0x74: {  	_ =	shalt  }
0x75: {  	_ =	shalt  }
0x76: {  	_ =	shalt  }
0x77: {  	_ =	shalt  }
0x78: {  	_ =	shalt  }
0x79: {  	_ =	shalt  }
0x7a: {  	_ =	shalt  }
0x7b: {  	_ =	shalt  }
0x7c: {  	_ =	shalt  }
0x7d: {  	_ =	shalt  }
0x7e: {  	_ =	shalt  }
0x7f: {  	_ =	shalt  }
0x80: {  	_ =	shalt  }
0x81: {  	_ =	shalt  }
0x82: {  	_ =	shalt  }
0x83: {  	_ =	shalt  }
0x84: {  	_ =	shalt  }
0x85: {  	_ =	shalt  }
0x86: {  	_ =	shalt  }
0x87: {  	_ =	shalt  }
.Lfunc_end0:
.L_simem_size_0:
called_computation_lowered:
.L_overlay_start_0:
0x88: {  	s2 =	sld [smem:$0x3FD9]  }
0x89: {  	s3 =	sld [smem:$0x3FFE];
	_ =	sdelay $0x1  }
0x8a: {  	s1 =	srdreg.scid  }
0x8b: {  	s0 =	sand.u32 $0x1, s1  }
0x8c: {  	s14 =	sshll.u32 s0, $0xA;
	s2 =	sadd.s32 s3, s2  }
0x8d: {  	s2 =	sadd.s32 s2, s14  }
0x8e: {  	[smem:$0x3FC3] =	sst s2  }
0x8f: {  	_ = 	snop  }
0x90: {  	s2 =	sld [smem:$0x3FD0];
	_ =	sdelay $0x2  }
0x91: {  	s15 =	simm.s32 $0xA;
	s4 =	simm.s32 $0x10  }
0x92: {  	[smem:s4], [sflag:s15] =	dma.local [hbm:s2], $0x1  }
0x93: {  	_ =	swait.eq [sflag:s15], $0x1  }
0x94: {  	[sflag:s15] =	ssyncset.done $0x0  }
0x95: {  	[sflag:s15] =	ssyncadd.s32 $0xFFFFFFFF  }
0x96: {  	s16 =	sld [smem:$0x10];
	(tm) =	ssettm $0x1  }
0x97: {  	s17 =	sld [smem:$0x3FFB];
	_ =	sdelay $0x3  }
0x98: {  	_ =	strace s17  }
0x99: {  	s3 =	sld [smem:$0x3FFC];
	_ =	sdelay $0x3  }
0x9a: {  	_ =	strace s3  }
0x9b: {  	s3 =	sld [smem:$0x3FFD];
	_ =	sdelay $0x3  }
0x9c: {  	_ =	strace s3  }
0x9d: {  	_ =	strace $0x8FFFFFFF  }
0x9e: {  	s18 =	sld [smem:$0x3FDB];
	_ =	sdelay $0x1  }
0x9f: {  	s19 =	simm.s32 $_scs_section_size  }
0xa0: {  	s5 =	simm.s32 $_size__tile_overlayer_lowered;
	s6 =	simm.s32 $_tile_overlayer_lowered  }
0xa1: {  	s22 =	simm.s32 $0x1BFF;
	s21 =	sshll.u32 s6, $0x1;
	s3 =	sadd.s32 s19, s18  }
0xa2: {  	s7 =	simm.s32 $0x0;
	s20 =	sshll.u32 s5, $0x1;
	s5 =	sadd.s32 s21, s3  }
0xa3: {  	[timem:s7], [sflag:s22] =	dma.local [hbm:s5], s20  }
0xa4: {  	_ =	swait.ge [sflag:s22], s20  }
0xa5: {  	s4 =	ssub.s32 $0x0, s20;
	[sflag:s22] =	ssyncset.done $0x0  }
0xa6: {  	[sflag:s22] =	ssyncadd.s32 s4;
	_ =	sdelay $0x1  }
0xa7: {  	s23 =	simm.s32 $0x1B8B  }
0xa8: {  	_ =	swait.ge [sflag:s23], $0x1  }
0xa9: {  	[sflag:s23] =	ssyncset.done $0x0  }
0xaa: {  	s25 =	simm.s32 $0x1B8E;
	s24 =	sld [smem:$0x3FFE];
	[sflag:s23] =	ssyncadd.s32 $0xFFFFFFFF  }
0xab: {  	s26 =	simm.s32 $execute0_lowered;
	[smem:$0x3FD2] =	sst s25  }
0xac: {  	s5 =	sshll.u32 s26, $0x1;
	_ =	strace $0x80000046;
	[dreg:$0x1] =	wrdreg $0xFFFFFFFF  }
0xad: {  	s28 =	simm.s32 $_size_execute0_lowered;
	s3 =	sadd.s32 s3, s5;
	[dreg:$0x0] =	wrdreg $0x0  }
0xae: {  	s5 =	sshll.u32 s28, $0x1;
	[dreg:$0x2] =	wrdreg s3  }
0xaf: {  	[dreg:$0x3] =	wrdreg s5  }
0xb0: {  	[dreg:$0x4] =	wrdreg $0xC0  }
0xb1: {  	_ =	task [dreg:s7], $0x5FFFF  }
0xb2: {  	[dreg:$0x1] =	wrdreg $0xFFFFFFFF  }
0xb3: {  	[dreg:$0x0] =	wrdreg $0x60  }
0xb4: {  	[dreg:$0x2] =	wrdreg s16  }
0xb5: {  	[dreg:$0x3] =	wrdreg s24  }
0xb6: {  	[dreg:$0x4] =	wrdreg $0x9  }
0xb7: {  	_ =	task.clear_ibuf [dreg:s7], $0x5FFFF;
	_ =	strace $0x90000046  }
0xb8: {  	s29 =	simm.s32 $0x9;
	_ =	strace $0x80000048  }
0xb9: {  	_ =	swait.ge [sflag:s29], $0x1  }
0xba: {  	[sflag:s29] =	ssyncadd.s32 $0xFFFFFFFF  }
0xbb: {  	_ =	strace $0x90000048  }
0xbc: {  	_ =	sfence  }
0xbd: {  	s30 =	sld [smem:$0x0];
	_ =	sdelay $0x2  }
0xbe: {  	s31 =	sshll.u32 s1, $0xD;
	s1 =	sshrl.u32 s1, $0x2  }
0xbf: {  	s3 =	sand.u32 $0x4000, s31;
	s1 =	sadd.s32 s1, s30  }
0xc0: {  	s0 =	sor.u32 s3, s0;
	s1 =	sshll.u32 s1, $0x11  }
0xc1: {  	s0 =	sor.u32 s1, s0  }
0xc2: {  	s0 =	sadd.s32 $0x8F2B, s0  }
0xc3: {  	[sflag:s0] =	ssyncadd.remote.s32 $0x1  }
0xc4: {  	_ =	sfence.sel $0xFFFF  }
0xc5: {  	[dreg:$0x0] =	wrdreg $0xFFFFFFFF;
	(pc) =	sbr.abs _section_cstart, $3  }
0xc6: {  	[dreg:$0x1] =	wrdreg $0xFFFFFFFF  }
0xc7: {  	_ =	task.clear_ibuf [dreg:s7], $0x2FFFF;
	_ =	strace $0x9FFFFFFF  }
0xc8: {  	(tm) =	ssettm $0x7FFFFFFF  }
0xc9: {  	_ =	shalt  }
tec
execute0_lowered:
.L_overlay_start_1:
0x0: {  	(tag) =	ssettag $0x1  }
0x1: {  	s0 =	srdreg.scid  }
0x2: {  	s6 =	sand.u32 $0x1, s0;
	s0 =	stileid.u32  }
0x3: {  	s3 =	sshll.u32 s0, $0x1;
	s4 =	ssub.s32 $0x0, s6  }
0x4: {  	p0 =	sne.s32 s3, s4  }
.Ltmp0:
0x5: {  	_ = 	snop;
	(pc) =	sbr.rel @p0 .LBB2_4-.Ltmp0, $4  }
0x6: {  	_ = 	snop  }
0x7: {  	s2 =	rddreg [dreg:$0x0]  }
0x8: {  	s7 =	rddreg [dreg:$0x1]  }
0x9: {  	s1 =	rddreg [dreg:$0x2];
	_ =	strace $0x80000047  }
0xa: {  	s4 =	simm.s32 $0x0;
	s3 =	simm.s32 $0x1  }
0xb: {  	[tilespmem:s4], [sflag:$0x1] =	stream.linear.gather [hbm4b:s2+s4], $0x400, $0x38;
	[tilespmem:$0x900] =	vst v63  }
0xc: {  	_ =	swait.ge [sflag:s3], $0x400  }
0xd: {  	[sflag:s3] =	ssyncset.done $0x0  }
0xe: {  	v0 =	vimm.s32 $0x0;
	v1 =	vimm.s32 $0x2;
	[sflag:s3] =	ssyncadd.s32 $0xFFFFFC00  }
0xf: {  	v2 =	vimm.s32 $0x3;
	v3 =	vimm.s32 $0x4;
	v4 =	vimm.s32 $0x5;
	v14 =	vld [tilespmem:$0x0]  }
0x10: {  	v5 =	vimm.s32 $0x6;
	v6 =	vimm.s32 $0x7;
	v9 =	vimm.s32 $0x76543210;
	v15 =	vld [tilespmem:$0x80]  }
0x11: {  	v7 =	vimm.s32 $0x1;
	v8 =	vlaneseq.u32;
	vm0 =	vmmov $0xff  }
0x12: {  	vm1 =	vcmask $0x1F00;
	v10 =	vimm.s32 $0xFEDCBA9;
	v11 =	vimm.s32 $0x10FEDCBA;
	v16 =	vld [tilespmem:$0x100]  }
0x13: {  	v12 =	vimm.s32 $0x98765432;
	v22 =	vimm.s32 $0xBA987654;
	v24 =	vimm.s32 $0xFEDCBA98  }
0x14: {  	v9 =	vunpack.c.l.s4.s8 v9;
	v11 =	vunpack.c.l.s4.s8 v11;
	v12 =	vunpack.c.l.s4.s8 v12;
	v17 =	vld [tilespmem:$0x180]  }
0x15: {  	v22 =	vunpack.c.l.s4.s8 v22;
	v24 =	vunpack.c.l.s4.s8 v24;
	vm2 =	vgt.f32 v15, v14  }
0x16: {  	v13 =	vunpack.c.0.s8.s32 v9;
	v9 =	vunpack.c.l.s4.s8 v10;
	v19 =	vld [tilespmem:$0x200];
	v20 =	vsel vm2, v15, v14  }
0x17: {  	v10 =	vimm.s32 $0x87654321;
	v11 =	vunpack.c.0.s8.s32 v11;
	vm3 =	vgt.f32 v16, v20  }
0x18: {  	v12 =	vunpack.c.0.s8.s32 v12;
	v22 =	vunpack.c.0.s8.s32 v22;
	v35 =	vld [tilespmem:$0x280];
	v20 =	vsel vm3, v16, v20  }
0x19: {  	v18 =	vunpack.c.0.s8.s32 v9;
	v9 =	vnsel vm1, $0x10, v13;
	vm1 =	vgt.f32 v17, v20  }
0x1a: {  	v24 =	vunpack.c.0.s8.s32 v24;
	v10 =	vunpack.c.l.s4.s8 v10;
	v21 =	vld [tilespmem:$0x300];
	v20 =	vsel vm1, v17, v20  }
0x1b: {  	v11 =	vcombine.low v12, v11;
	v12 =	vimm.s32 $0x3210FEDC;
	vm4 =	vgt.f32 v19, v20  }
0x1c: {  	v23 =	vld [tilespmem:$0x380];
	v24 =	vand.u32 $0xF, v24;
	v10 =	vunpack.c.0.s8.s32 v10;
	v20 =	vsel vm4, v19, v20  }
0x1d: {  	v12 =	vunpack.c.l.s4.s8 v12;
	v25 =	vsel vm2, $0x1, v0;
	vm2 =	vgt.f32 v35, v20  }
0x1e: {  	v13 =	vcombine.low v24, v13;
	v25 =	vsel vm3, $0x2, v25;
	v20 =	vsel vm2, v35, v20  }
0x1f: {  	v12 =	vunpack.c.0.s8.s32 v12;
	v25 =	vsel vm1, $0x3, v25;
	vm5 =	vgt.f32 v21, v20  }
0x20: {  	v10 =	vcombine.low v10, v18;
	v25 =	vsel vm4, $0x4, v25;
	v20 =	vsel vm5, v21, v20  }
0x21: {  	v12 =	vcombine.low v22, v12;
	v36 =	vsel vm2, $0x5, v25;
	vm1 =	vgt.f32 v23, v20  }
0x22: {  	v11 =	vand.u32 $0xF, v11;
	v22 =	vsel vm5, $0x6, v36;
	vm3 =	vmneg vm1  }
0x23: {  	v10 =	vand.u32 $0xF, v10;
	v12 =	vand.u32 $0xF, v12;
	v22 =	vnsel vm3, $0x7, v22  }
0x24: {  	vm2 =	vmmov $0x1;
	vm1 =	vcmask $0x3F08;
	vm6 =	veq.s32 v22, $0x0  }
0x25: {  	v20 =	vsel vm3, v20, v23;
	vm4 =	vmand vm5, vm3;
	v14 =	vsel vm6, $0xC0000000, v14  }
0x26: {  	v44 =	vnsel vm3, $0xC0000000, v23;
	vm14 =	veq.s32 v22, $0x1;
	vm7 =	vgt.f32 v14, $-2.000000000e+00  }
0x27: {  	vm15 =	veq.s32 v22, $0x2;
	v15 =	vsel vm14, $0xC0000000, v15;
	v14 =	vnsel vm7, $0xC0000000, v14  }
0x28: {  	vm8 =	veq.s32 v22, $0x3;
	vm12 =	veq.s32 v22, $0x4;
	vm9 =	vgt.f32 v15, v14  }
0x29: {  	vm13 =	veq.s32 v22, v8;
	v16 =	vsel vm15, $0xC0000000, v16;
	v14 =	vsel vm9, v15, v14  }
0x2a: {  	v21 =	vsel vm4, $0xC0000000, v21;
	v61 =	vperm.xlane v22, v0;
	vm10 =	vgt.f32 v16, v14  }
0x2b: {  	v37 =	vnsel vm13, $0x10, v9;
	v17 =	vsel vm8, $0xC0000000, v17;
	v14 =	vsel vm10, v16, v14  }
0x2c: {  	vm14 =	veq.s32 v22, $0x5;
	v19 =	vsel vm12, $0xC0000000, v19;
	vm8 =	vgt.f32 v17, v14  }
0x2d: {  	v18 =	vsel vm14, $0xC0000000, v35;
	vm7 =	vmand vm13, vm0;
	v14 =	vsel vm8, v17, v14  }
0x2e: {  	v38 =	vnsel vm7, $0x0, v20;
	v15 =	vperm.xlane v37, v10;
	vm5 =	vgt.f32 v19, v14  }
0x2f: {  	v20 =	vperm.xlane v38, v2;
	v40 =	vsel vm9, $0x1, v0;
	v14 =	vsel vm5, v19, v14  }
0x30: {  	v39 =	vperm.xlane v38, v5;
	v41 =	vsel vm10, $0x2, v40;
	vm6 =	vgt.f32 v18, v14  }
0x31: {  	v45 =	vperm.xlane v38, v1;
	v19 =	vsel vm8, $0x3, v41;
	v14 =	vsel vm6, v18, v14  }
0x32: {  	v46 =	vperm.xlane v38, v6;
	v43 =	vsel vm5, $0x4, v19;
	vm12 =	vgt.f32 v21, v14  }
0x33: {  	vm15 =	vlt.s32 v37, v15;
	v18 =	vsel vm6, $0x5, v43;
	v14 =	vsel vm12, v21, v14  }
0x34: {  	v15 =	vsel vm15, v37, v15;
	v18 =	vsel vm12, $0x6, v18;
	vm3 =	vgt.f32 v44, v14  }
0x35: {  	v48 =	vperm.xlane v38, v0;
	v42 =	vperm.xlane v15, v11;
	v18 =	vsel vm3, $0x7, v18  }
0x36: {  	v26 =	vperm.xlane v38, v4;
	v14 =	vsel vm3, v44, v14;
	vm3 =	veq.s32 v18, v8  }
0x37: {  	v28 =	vperm.xlane v38, v3;
	vm11 =	vlt.s32 v15, v42;
	v49 =	vnsel vm3, $0x10, v9  }
0x38: {  	v15 =	vsel vm11, v15, v42;
	vm13 =	vmand vm3, vm0;
	v27 =	vperm.xlane v49, v10  }
0x39: {  	v16 =	vperm.xlane v38, v7;
	v47 =	vperm.xlane v15, v12;
	v14 =	vnsel vm13, $0x0, v14  }
0x3a: {  	v62 =	vperm.xlane v18, v0;
	v29 =	vperm.xlane v14, v0;
	vm14 =	vlt.s32 v49, v27  }
0x3b: {  	v30 =	vperm.xlane v14, v4;
	v31 =	vperm.xlane v14, v1;
	v25 =	vsel vm14, v49, v27  }
0x3c: {  	vm3 =	vlt.s32 v15, v47;
	v32 =	vperm.xlane v14, v2;
	v33 =	vperm.xlane v25, v11  }
0x3d: {  	v15 =	vsel vm3, v15, v47;
	v50 =	vperm.xlane v14, v3;
	v51 =	vperm.xlane v14, v5  }
0x3e: {  	v34 =	vperm.xlane v14, v6;
	v14 =	vperm.xlane v14, v7;
	vm3 =	vlt.s32 v25, v33  }
0x3f: {  	v57 =	vperm.xlane v15, v13;
	v32 =	vsel vm1, $0x0, v32;
	v25 =	vsel vm3, v25, v33  }
0x40: {  	v52 =	vsel vm1, $0x0, v34;
	v20 =	vsel vm2, v20, v32;
	v33 =	vperm.xlane v25, v12  }
0x41: {  	v31 =	vsel vm1, $0x0, v31;
	v19 =	vsel vm1, $0x0, v51;
	v53 =	vsel vm2, v46, v52;
	[tilespmem:$0x580] =	vst v20  }
0x42: {  	v29 =	vsel vm1, $0x0, v29;
	v17 =	vsel vm2, v39, v19;
	[tilespmem:$0x780] =	vst v53;
	vm3 =	vlt.s32 v25, v33  }
0x43: {  	v27 =	vsel vm1, $0x0, v50;
	v54 =	vsel vm2, v48, v29;
	[tilespmem:$0x700] =	vst v17;
	v58 =	vsel vm3, v25, v33  }
0x44: {  	v30 =	vsel vm1, $0x0, v30;
	v55 =	vsel vm2, v28, v27;
	[tilespmem:$0x400] =	vst v54;
	v60 =	vperm.xlane v58, v13  }
0x45: {  	v14 =	vsel vm1, $0x0, v14;
	v56 =	vsel vm2, v26, v30;
	[tilespmem:$0x600] =	vst v55;
	vm3 =	vlt.s32 v15, v57  }
0x46: {  	s8 =	ssub.s32 $0x2, s6;
	v59 =	vsel vm2, v45, v31;
	[tilespmem:$0x680] =	vst v56;
	v15 =	vsel vm3, v15, v57;
	vm3 =	vlt.s32 v58, v60  }
0x47: {  	s9 =	sshrl.u32 s8, $0x1;
	v14 =	vsel vm2, v16, v14;
	[tilespmem:$0x500] =	vst v59;
	vm15 =	vlt.s32 v15, $0x10;
	v63 =	vsel vm3, v58, v60  }
0x48: {  	s8 =	ssub.s32 s8, s9;
	[tilespmem:$0x480] =	vst v14;
	v14 =	vsel vm15, v15, v61;
	vm3 =	vlt.s32 v63, $0x10  }
0x49: {  	s9 =	smax.u32 s8, $0x1;
	[tilespmem:$0x800] =	vst v14;
	v14 =	vsel vm3, v63, v62  }
0x4a: {  	s5 =	sadd.s32 $0x1800, s7;
	s6 =	simm.s32 $0x400;
	p0 =	sne.s32 s9, $0x1;
	[tilespmem:$0x880] =	vst v14  }
0x4b: {  	[hbm4b:s5+s4] =	stream.linear.scatter [tilespmem:s6], [sflag:$0x1], $0x400, $0x38;
	[tilespmem:$0x900] =	vst v63  }
.Ltmp1:
0x4c: {  	_ =	swait.ge [sflag:s3], $0x400;
	(pc) =	sbr.rel @!p0 .LBB2_3-.Ltmp1, $4  }
0x4d: {  	[sflag:s3] =	ssyncset.done $0x0  }
0x4e: {  	s7 =	sadd.s32 $0x1A00, s7;
	s8 =	simm.s32 $0x800;
	[sflag:s3] =	ssyncadd.s32 $0xFFFFFC00  }
0x4f: {  	[hbm4b:s7+s4] =	stream.linear.scatter [tilespmem:s8], [sflag:$0x1], $0x100, $0x38;
	[tilespmem:$0x900] =	vst v63  }
0x50: {  	s9 =	sadd.s32 $0xFFFFFFFF, s9;
	_ =	swait.ge [sflag:s3], $0x100  }
.LBB2_2:
0x51: {  	p0 =	sne.s32 s9, $0x1;
	s9 =	sadd.s32 $0xFFFFFFFF, s9;
	[sflag:s3] =	ssyncset.done $0x0  }
0x52: {  	[sflag:s3] =	ssyncadd.s32 $0xFFFFFF00  }
0x53: {  	[tilespmem:s4], [sflag:$0x1] =	stream.linear.gather [hbm4b:s2+s4], $0x400, $0x38;
	[tilespmem:$0x900] =	vst v63  }
0x54: {  	_ =	swait.ge [sflag:s3], $0x400  }
0x55: {  	[sflag:s3] =	ssyncset.done $0x0  }
0x56: {  	[sflag:s3] =	ssyncadd.s32 $0xFFFFFC00  }
0x57: {  	v15 =	vld [tilespmem:$0x0]  }
0x58: {  	v16 =	vld [tilespmem:$0x80]  }
0x59: {  	v17 =	vld [tilespmem:$0x100];
	_ =	sdelay $0x1  }
0x5a: {  	v18 =	vld [tilespmem:$0x180];
	_ =	sdelay $0x1  }
0x5b: {  	v19 =	vld [tilespmem:$0x200];
	vm3 =	vgt.f32 v16, v15  }
0x5c: {  	v14 =	vsel vm3, v16, v15  }
0x5d: {  	v20 =	vld [tilespmem:$0x280];
	vm4 =	vgt.f32 v17, v14  }
0x5e: {  	v14 =	vsel vm4, v17, v14  }
0x5f: {  	v21 =	vld [tilespmem:$0x300];
	vm5 =	vgt.f32 v18, v14  }
0x60: {  	v14 =	vsel vm5, v18, v14  }
0x61: {  	v22 =	vld [tilespmem:$0x380];
	vm6 =	vgt.f32 v19, v14  }
0x62: {  	v23 =	vsel vm3, $0x1, v0;
	v14 =	vsel vm6, v19, v14  }
0x63: {  	v23 =	vsel vm4, $0x2, v23;
	vm3 =	vgt.f32 v20, v14  }
0x64: {  	v23 =	vsel vm5, $0x3, v23;
	v14 =	vsel vm3, v20, v14  }
0x65: {  	v23 =	vsel vm6, $0x4, v23;
	vm4 =	vgt.f32 v21, v14  }
0x66: {  	v23 =	vsel vm3, $0x5, v23;
	v14 =	vsel vm4, v21, v14  }
0x67: {  	v23 =	vsel vm4, $0x6, v23;
	vm3 =	vgt.f32 v22, v14  }
0x68: {  	vm3 =	vmneg vm3  }
0x69: {  	v24 =	vsel vm3, v14, v22;
	v14 =	vnsel vm3, $0x7, v23;
	vm4 =	vmand vm4, vm3  }
0x6a: {  	vm5 =	veq.s32 v14, $0x0;
	vm6 =	veq.s32 v14, $0x1;
	vm7 =	veq.s32 v14, $0x2  }
0x6b: {  	vm8 =	veq.s32 v14, $0x4;
	v15 =	vsel vm5, $0xC0000000, v15;
	vm5 =	veq.s32 v14, $0x3  }
0x6c: {  	v16 =	vsel vm6, $0xC0000000, v16;
	vm6 =	veq.s32 v14, $0x5;
	vm9 =	vgt.f32 v15, $-2.000000000e+00  }
0x6d: {  	v15 =	vnsel vm9, $0xC0000000, v15;
	vm9 =	veq.s32 v14, v8  }
0x6e: {  	v17 =	vsel vm7, $0xC0000000, v17;
	vm10 =	vgt.f32 v16, v15;
	v23 =	vnsel vm9, $0x10, v9  }
0x6f: {  	vm7 =	vmand vm9, vm0;
	v15 =	vsel vm10, v16, v15;
	v16 =	vperm.xlane v23, v10  }
0x70: {  	v18 =	vsel vm5, $0xC0000000, v18;
	v24 =	vnsel vm7, $0x0, v24;
	vm9 =	vgt.f32 v17, v15  }
0x71: {  	v15 =	vsel vm9, v17, v15;
	vm5 =	vlt.s32 v23, v16;
	v17 =	vperm.xlane v24, v2  }
0x72: {  	v19 =	vsel vm8, $0xC0000000, v19;
	v25 =	vperm.xlane v24, v5;
	vm7 =	vgt.f32 v18, v15  }
0x73: {  	v16 =	vsel vm5, v23, v16;
	v15 =	vsel vm7, v18, v15  }
0x74: {  	v20 =	vsel vm6, $0xC0000000, v20;
	v18 =	vsel vm10, $0x1, v0;
	vm5 =	vgt.f32 v19, v15  }
0x75: {  	v18 =	vsel vm9, $0x2, v18;
	v15 =	vsel vm5, v19, v15;
	v19 =	vperm.xlane v16, v11  }
0x76: {  	v21 =	vsel vm4, $0xC0000000, v21;
	v18 =	vsel vm7, $0x3, v18;
	vm6 =	vgt.f32 v20, v15  }
0x77: {  	v18 =	vsel vm5, $0x4, v18;
	v15 =	vsel vm6, v20, v15;
	vm4 =	vlt.s32 v16, v19  }
0x78: {  	v18 =	vsel vm6, $0x5, v18;
	v20 =	vnsel vm3, $0xC0000000, v22;
	vm5 =	vgt.f32 v21, v15  }
0x79: {  	v16 =	vsel vm4, v16, v19;
	v15 =	vsel vm5, v21, v15;
	v18 =	vsel vm5, $0x6, v18  }
0x7a: {  	v19 =	vperm.xlane v24, v1;
	v21 =	vperm.xlane v24, v6;
	vm3 =	vgt.f32 v20, v15  }
0x7b: {  	v15 =	vsel vm3, v20, v15;
	v18 =	vsel vm3, $0x7, v18;
	v20 =	vperm.xlane v16, v12  }
0x7c: {  	v23 =	vperm.xlane v24, v4;
	v22 =	vperm.xlane v24, v0;
	vm3 =	veq.s32 v18, v8  }
0x7d: {  	vm4 =	vlt.s32 v16, v20;
	vm5 =	vmand vm3, vm0;
	v26 =	vnsel vm3, $0x10, v9  }
0x7e: {  	v28 =	vperm.xlane v24, v3;
	v15 =	vnsel vm5, $0x0, v15;
	v27 =	vperm.xlane v26, v10  }
0x7f: {  	v16 =	vsel vm4, v16, v20;
	v20 =	vperm.xlane v15, v0;
	v29 =	vperm.xlane v15, v4  }
0x80: {  	v30 =	vperm.xlane v15, v1;
	v31 =	vperm.xlane v15, v2;
	vm3 =	vlt.s32 v26, v27  }
0x81: {  	v32 =	vperm.xlane v15, v5;
	v26 =	vsel vm3, v26, v27;
	v27 =	vperm.xlane v15, v3  }
0x82: {  	v34 =	vperm.xlane v15, v6;
	v30 =	vsel vm1, $0x0, v30;
	v33 =	vperm.xlane v26, v11  }
0x83: {  	v31 =	vsel vm1, $0x0, v31;
	v29 =	vsel vm1, $0x0, v29;
	v27 =	vsel vm1, $0x0, v27  }
0x84: {  	v17 =	vsel vm2, v17, v31;
	v31 =	vsel vm1, $0x0, v34;
	vm3 =	vlt.s32 v26, v33  }
0x85: {  	v21 =	vsel vm2, v21, v31;
	v26 =	vsel vm3, v26, v33;
	[tilespmem:$0x580] =	vst v17;
	v17 =	vsel vm1, $0x0, v32  }
0x86: {  	v20 =	vsel vm1, $0x0, v20;
	v31 =	vperm.xlane v26, v12;
	v17 =	vsel vm2, v25, v17;
	[tilespmem:$0x780] =	vst v21  }
0x87: {  	v20 =	vsel vm2, v22, v20;
	v22 =	vsel vm2, v23, v29;
	v21 =	vsel vm2, v28, v27;
	[tilespmem:$0x700] =	vst v17  }
0x88: {  	v15 =	vperm.xlane v15, v7;
	v17 =	vsel vm2, v19, v30;
	vm3 =	vlt.s32 v26, v31;
	[tilespmem:$0x400] =	vst v20  }
0x89: {  	v23 =	vperm.xlane v24, v7;
	v19 =	vperm.xlane v16, v13;
	v20 =	vsel vm3, v26, v31;
	[tilespmem:$0x600] =	vst v21  }
0x8a: {  	v15 =	vsel vm1, $0x0, v15;
	v21 =	vperm.xlane v20, v13;
	[tilespmem:$0x680] =	vst v22  }
0x8b: {  	v14 =	vperm.xlane v14, v0;
	v15 =	vsel vm2, v23, v15;
	vm3 =	vlt.s32 v16, v19;
	[tilespmem:$0x500] =	vst v17  }
0x8c: {  	v16 =	vsel vm3, v16, v19;
	v17 =	vperm.xlane v18, v0;
	vm3 =	vlt.s32 v20, v21;
	[tilespmem:$0x480] =	vst v15  }
0x8d: {  	vm4 =	vlt.s32 v16, $0x10;
	v15 =	vsel vm3, v20, v21  }
0x8e: {  	v14 =	vsel vm4, v16, v14;
	vm3 =	vlt.s32 v15, $0x10  }
0x8f: {  	[tilespmem:$0x800] =	vst v14;
	v14 =	vsel vm3, v15, v17  }
0x90: {  	[tilespmem:$0x880] =	vst v14  }
0x91: {  	[hbm4b:s5+s4] =	stream.linear.scatter [tilespmem:s6], [sflag:$0x1], $0x400, $0x38;
	[tilespmem:$0x900] =	vst v63  }
.Ltmp2:
0x92: {  	_ =	swait.ge [sflag:s3], $0x400;
	(pc) =	sbr.rel @p0 .LBB2_2-.Ltmp2, $4  }
0x93: {  	[sflag:s3] =	ssyncset.done $0x0  }
0x94: {  	[sflag:s3] =	ssyncadd.s32 $0xFFFFFC00  }
0x95: {  	[hbm4b:s7+s4] =	stream.linear.scatter [tilespmem:s8], [sflag:$0x1], $0x100, $0x38;
	[tilespmem:$0x900] =	vst v63  }
0x96: {  	_ =	swait.ge [sflag:s3], $0x100  }
.LBB2_3:
0x97: {  	[sflag:s3] =	ssyncset.done $0x0  }
0x98: {  	[sflag:s3] =	ssyncadd.s32 $0xFFFFFF00  }
.LBB2_4:
0x99: {  	_ =	sfence.sel $0x180000  }
0x9a: {  	[bflag:$0x0] =	sbarrier.arrive $0xFFFF  }
0x9b: {  	p0 =	sne.s32 s0, $0x0;
	_ =	strace $0x90000047  }
0x9c: {  	s0 =	sadd.s32 @!p0 $0x100000, s1;
	[bflag:$0x2] =	sbarrier.arrive $0xFFFF  }
0x9d: {  	[sflag:s0] =	ssyncadd.tile.s32 @!p0 $0x1;
	_ =	shalt  }
.Lfunc_end2:
_tile_overlayer_lowered:
.L_overlay_start_2:
0x9e: {  	(tag) =	ssettag $0x2  }
0x9f: {  	s0 =	rddreg [dreg:$0x0];
	s2 =	stileid.u32  }
0xa0: {  	s1 =	rddreg [dreg:$0x1];
	p0 =	sne.s32 s2, $0x0  }
0xa1: {  	s3 =	rddreg [dreg:$0x2];
	[bflag:$0x3] =	sbarrier.arrive $0xFFFF;
	s2 =	simm.s32 @!p0 $0x1C01  }
0xa2: {  	[timem:s3], [sflag:s2] =	dma.local @!p0 [hbm:s0], s1  }
0xa3: {  	s0 =	simm.s32 @!p0 $0x1  }
0xa4: {  	_ =	swait.ge @!p0 [sflag:s0], s1  }
0xa5: {  	s1 =	ssub.s32 @!p0 $0x0, s1;
	[sflag:s0] =	ssyncset.done @!p0 $0x0  }
0xa6: {  	[sflag:s0] =	ssyncadd.s32 @!p0 s1  }
0xa7: {  	[bflag:$0x3] =	sbarrier.arrive $0xFFFF  }
0xa8: {  	_ =	shalt  }

</sc_bundles>
